<compile_context>
chip_gen: v7x
topology: tpu7x:2x2x1
jax: 0.10.2.dev20260603
libtpu: 0.0.44.dev20260713+nightly
codegen_flags: <defaults>
</compile_context>

<pallas_src>
import functools

import jax
import jax.numpy as jnp
from jax import lax
from jax.experimental import pallas as pl
from jax.experimental.pallas import tpu as pltpu
from jax.experimental.pallas import tpu_sc as plsc

N = 2048
E = 131072
D = 16
H = 8
NN = N * N
RB = 17
RROWS = 1 << RB
NREG = NN // RROWS
NPASS = NREG // 2
TPB = E // 16
DUMP0 = RROWS
ACC_ROWS = RROWS + 256
SBUF = TPB + NREG * 128 + 16

BE = 8192


def _proj_body(ei_ref, xt_ref, wt_ref, b_ref, proj_ref, flat_ref):
    proj_ref[...] = (
        lax.dot_general(
            xt_ref[...], wt_ref[...], (((0,), (0,)), ((), ())),
            preferred_element_type=jnp.float32,
        )
        + b_ref[...]
    )
    flat_ref[...] = ei_ref[0, :] * N + ei_ref[1, :]


_sc_mesh = plsc.VectorSubcoreMesh(core_axis_name="c", subcore_axis_name="s")


@functools.partial(
    pl.kernel,
    out_type=jax.ShapeDtypeStruct((NN * H // 128, 128), jnp.float32),
    mesh=_sc_mesh,
    scratch_types=[
        pltpu.VMEM((TPB,), jnp.int32),
        pltpu.VMEM((SBUF,), jnp.int32),
        pltpu.VMEM((SBUF,), jnp.int32),
        pltpu.VMEM((NREG,), jnp.int32),
        pltpu.VMEM((NREG,), jnp.int32),
        pltpu.VMEM((NREG,), jnp.int32),
        pltpu.VMEM((NREG,), jnp.int32),
        pltpu.VMEM((128, H), jnp.float32),
        pltpu.VMEM((1024, H), jnp.float32),
        pltpu.VMEM((1024, H), jnp.float32),
        pltpu.VMEM((64, 128), jnp.float32),
        pltpu.VMEM_SHARED((ACC_ROWS, H), jnp.float32),
        pltpu.SemaphoreType.DMA,
        pltpu.SemaphoreType.DMA,
        pltpu.SemaphoreType.DMA,
        pltpu.SemaphoreType.DMA,
    ],
    compiler_params=pltpu.CompilerParams(
        use_tc_tiling_on_sc=False, needs_layout_passes=False),
)
def _sc_scatter(flat_hbm, proj_hbm, zeros_hbm, out_hbm,
                idx_v, seid, sidx, cnt_v, off_v, pc_v, cur_v,
                rowbuf, zero_v, stage_v, obuf, acc, sem, semz, sems, semo):
    c = lax.axis_index("c")
    s = lax.axis_index("s")
    base = s * TPB

    pltpu.sync_copy(flat_hbm.at[pl.ds(base, TPB)], idx_v)
    pltpu.sync_copy(zeros_hbm, zero_v)
    dump_vec = jnp.full((16,), DUMP0 + 8 * s, jnp.int32)
    zero_vec = jnp.zeros((16,), jnp.int32)
    ones_vec = jnp.full((16,), 1, jnp.int32)
    lane = jnp.arange(16, dtype=jnp.int32)

    def init_body(v, carry):
        seid[pl.ds(v * 16, 16)] = zero_vec
        sidx[pl.ds(v * 16, 16)] = dump_vec
        return carry
    lax.fori_loop(0, SBUF // 16, init_body, 0)
    cnt_v[pl.ds(0, 16)] = zero_vec
    cnt_v[pl.ds(16, 16)] = zero_vec

    def hist_body(v, carry):
        vec = plsc.load_gather(idx_v, [jnp.full((16,), v * 16, jnp.int32) + lane])
        rid = lax.shift_right_logical(vec, RB)
        plsc.addupdate_scatter(cnt_v, [rid], ones_vec)
        return carry
    lax.fori_loop(0, TPB // 16, hist_body, 0)

    c0 = cnt_v[pl.ds(0, 16)]
    c1 = cnt_v[pl.ds(16, 16)]
    p0 = lax.shift_left(lax.shift_right_logical(c0 + 127, 7), 7)
    p1 = lax.shift_left(lax.shift_right_logical(c1 + 127, 7), 7)
    o0 = plsc.cumsum(p0) - p0
    t0 = jnp.sum(p0)
    o1 = plsc.cumsum(p1) - p1 + jnp.full((16,), t0, jnp.int32)
    off_v[pl.ds(0, 16)] = o0
    off_v[pl.ds(16, 16)] = o1
    pc_v[pl.ds(0, 16)] = p0
    pc_v[pl.ds(16, 16)] = p1
    cur_v[pl.ds(0, 16)] = o0
    cur_v[pl.ds(16, 16)] = o1

    def sort_body(v, carry):
        vec = plsc.load_gather(idx_v, [jnp.full((16,), v * 16, jnp.int32) + lane])
        rid = lax.shift_right_logical(vec, RB)
        rank, _ = plsc.scan_count(rid)
        pos = plsc.load_gather(cur_v, [rid]) + rank - ones_vec
        geid = jnp.full((16,), base + v * 16, jnp.int32) + lane
        plsc.store_scatter(seid, [pos], geid)
        plsc.store_scatter(sidx, [pos], jnp.bitwise_and(vec, RROWS - 1))
        plsc.addupdate_scatter(cur_v, [rid], ones_vec)
        return carry
    lax.fori_loop(0, TPB // 16, sort_body, 0)

    def pass_body(p, carry):
        r = 2 * p + c

        def zbody(q, carry2):
            pltpu.async_copy(
                zero_v, acc.at[pl.ds(s * 8192 + q * 1024, 1024), :], semz)
            return carry2
        lax.fori_loop(0, 8, zbody, 0)

        def zdrain(q, carry2):
            pltpu.make_async_copy(
                zero_v, acc.at[pl.ds(s * 8192 + q * 1024, 1024), :], semz
            ).wait()
            return carry2
        lax.fori_loop(0, 8, zdrain, 0)

        r_splat = jnp.full((16,), r, jnp.int32)
        start = pl.multiple_of(
            lax.reduce_max(plsc.load_gather(off_v, [r_splat]), (0,)), 128)
        nch = lax.shift_right_logical(
            lax.reduce_max(plsc.load_gather(pc_v, [r_splat]), (0,)), 7)

        plsc.subcore_barrier()

        def gbody(g, carry2):
            o = pl.multiple_of(start + g * 128, 128)
            pltpu.async_copy(
                proj_hbm.at[seid.at[pl.ds(o, 128)]], rowbuf, sem).wait()

            def tbody(t, carry3):
                idxv = plsc.load_gather(
                    sidx, [jnp.full((16,), o + t * 16, jnp.int32) + lane])
                pltpu.async_copy(
                    rowbuf.at[pl.ds(t * 16, 16), :], acc.at[idxv], sems,
                    add=True)
                return carry3
            lax.fori_loop(0, 8, tbody, carry2)

            def tdrain(t, carry3):
                idxv = plsc.load_gather(
                    sidx, [jnp.full((16,), o + t * 16, jnp.int32) + lane])
                pltpu.make_async_copy(
                    rowbuf.at[pl.ds(t * 16, 16), :], acc.at[idxv], sems
                ).wait()
                return carry3
            return lax.fori_loop(0, 8, tdrain, carry2)
        lax.fori_loop(0, nch, gbody, 0)

        plsc.subcore_barrier()

        def obody(ch, carry2):
            pltpu.sync_copy(acc.at[pl.ds(s * 8192 + ch * 1024, 1024), :],
                            stage_v)
            i = (r * RROWS + s * 8192 + ch * 1024) // N
            orow = i * 128 + (ch % 2) * 64

            for half in range(2):
                def wbody(w, carry3, half=half):
                    wg = half * 32 + w
                    jtl = wg // 8
                    h = wg % 8
                    hv = jnp.full((16,), h, jnp.int32)
                    for q in range(8):
                        rows = (
                            jnp.full((16,), jtl * 128 + q * 16, jnp.int32)
                            + lane
                        )
                        vec = plsc.load_gather(stage_v, [rows, hv])
                        obuf[wg, pl.ds(q * 16, 16)] = vec
                    return carry3
                lax.fori_loop(0, 32, wbody, 0)
                pltpu.async_copy(
                    obuf.at[pl.ds(half * 32, 32), :],
                    out_hbm.at[pl.ds(orow + half * 32, 32), :], semo)
            for half in range(2):
                pltpu.make_async_copy(
                    obuf.at[pl.ds(half * 32, 32), :],
                    out_hbm.at[pl.ds(orow + half * 32, 32), :], semo,
                ).wait()
            return carry2
        lax.fori_loop(0, 8, obody, 0)
        return carry
    lax.fori_loop(0, NPASS, pass_body, 0)


def kernel(edge_index, edge_attr, num_nodes, W, b):
    del num_nodes
    wt = W.T
    proj, flat = pl.pallas_call(
        _proj_body,
        grid=(E // BE,),
        in_specs=[
            pl.BlockSpec((2, BE), lambda g: (0, g)),
            pl.BlockSpec((D, BE), lambda g: (0, g)),
            pl.BlockSpec((D, H), lambda g: (0, 0)),
            pl.BlockSpec((1, H), lambda g: (0, 0)),
        ],
        out_specs=[
            pl.BlockSpec((BE, H), lambda g: (g, 0)),
            pl.BlockSpec((BE,), lambda g: (g,)),
        ],
        out_shape=[
            jax.ShapeDtypeStruct((E, H), jnp.float32),
            jax.ShapeDtypeStruct((E,), jnp.int32),
        ],
    )(edge_index.astype(jnp.int32), edge_attr.T, wt, b.reshape(1, H))

    zeros_src = jnp.zeros((1024, H), jnp.float32)
    out128 = _sc_scatter(flat, proj, zeros_src)
    out4 = out128.reshape(N, N // 128, H, 128)
    return out4.transpose(0, 2, 1, 3).reshape(N, H, N).transpose(0, 2, 1)

# --- scband reference (transcript-rebuilt; emitter-appended) ---
"""Pipeline reference for scband-edge-feature-encoding-21492016349937 (READ-ONLY COPY).

The authoritative reference and input builder live on the scoring server;
editing this copy changes nothing except your own understanding.
"""

import jax, jax.numpy as jnp
import numpy as np

N = 2048
E = 131072
D = 16
H = 8

def setup_inputs(seed: int = 0) -> dict:
    key = jax.random.key(seed)
    k1, k2, k3 = jax.random.split(key, 3)
    edge_index = jax.random.randint(k1, (2, E), 0, N, dtype=jnp.int32)
    edge_attr = jax.random.normal(k2, (E, D), dtype=jnp.float32)
    # nn.Linear(edge_feat_dim, n_heads): W is (out, in) = (H, D), bias (H,)
    bound = 1.0 / np.sqrt(D)
    kW, kb = jax.random.split(k3)
    W = jax.random.uniform(kW, (H, D), minval=-bound, maxval=bound, dtype=jnp.float32)
    b = jax.random.uniform(kb, (H,), minval=-bound, maxval=bound, dtype=jnp.float32)
    return {"edge_index": edge_index, "edge_attr": edge_attr, "num_nodes": N, "W": W, "b": b}

def reference(edge_index, edge_attr, num_nodes, W, b):
    # proj: (E, H) == self.edge_proj(edge_attr)
    proj = edge_attr @ W.T + b
    # Indices are generated in [0, N), so the per-edge bounds check in the
    # torch loop always passes; the loop is a scatter-add into bias[i, j].
    flat_idx = edge_index[0].astype(jnp.int32) * num_nodes + edge_index[1].astype(jnp.int32)
    bias_flat = jnp.zeros((N * N, proj.shape[1]), dtype=proj.dtype)
    bias_flat = bias_flat.at[flat_idx].add(proj)
    return bias_flat.reshape(N, N, proj.shape[1])

if __name__ == "__main__":
    import jax
    _d = setup_inputs()
    print(jax.jit(kernel)(*tuple(_d.values())))

</pallas_src>

<mosaic_0001>
#map = affine_map<(d0, d1) -> (0)>
#map1 = affine_map<(d0, d1) -> (0, 0)>
module attributes {stable_mosaic.version = 14 : i64} {
  func.func @_sc_scatter(%arg0: i32, %arg1: i32, %arg2: memref<131072xi32, #tpu.memory_space<hbm>>, %arg3: memref<131072x8xf32, #tpu.memory_space<hbm>>, %arg4: memref<1024x8xf32, #tpu.memory_space<hbm>>, %arg5: memref<262144x128xf32, #tpu.memory_space<hbm>>, %arg6: memref<8192xi32, #tpu.memory_space<vmem>>, %arg7: memref<12304xi32, #tpu.memory_space<vmem>>, %arg8: memref<12304xi32, #tpu.memory_space<vmem>>, %arg9: memref<32xi32, #tpu.memory_space<vmem>>, %arg10: memref<32xi32, #tpu.memory_space<vmem>>, %arg11: memref<32xi32, #tpu.memory_space<vmem>>, %arg12: memref<32xi32, #tpu.memory_space<vmem>>, %arg13: memref<128x8xf32, #tpu.memory_space<vmem>>, %arg14: memref<1024x8xf32, #tpu.memory_space<vmem>>, %arg15: memref<1024x8xf32, #tpu.memory_space<vmem>>, %arg16: memref<64x128xf32, #tpu.memory_space<vmem>>, %arg17: memref<131328x8xf32, #tpu.memory_space<vmem_shared>>, %arg18: memref<!tpu.dma_semaphore, #tpu.memory_space<semaphore_mem>>, %arg19: memref<!tpu.dma_semaphore, #tpu.memory_space<semaphore_mem>>, %arg20: memref<!tpu.dma_semaphore, #tpu.memory_space<semaphore_mem>>, %arg21: memref<!tpu.dma_semaphore, #tpu.memory_space<semaphore_mem>>) attributes {dimension_semantics = [#tpu.dimension_semantics<core_parallel>, #tpu.dimension_semantics<subcore_parallel>], iteration_bounds = array<i64: 2, 16>, scalar_prefetch = 0 : i64, scratch_operands = 16 : i64, tpu.core_type = #tpu.core_type<sc_vector_subcore>, window_params = [{transform_indices = #map}, {transform_indices = #map1}, {transform_indices = #map1}, {transform_indices = #map1}]} {
    %mul3A = arith.constant 8192 : i32
    %mul3A_0 = arith.muli %arg1, %mul3A : i32
    "tpu.region"() ({
      %run_scoped3A = tpu.sem_alloc : memref<!tpu.dma_semaphore, #tpu.memory_space<semaphore_mem>>
      %dma_start3A = tpu.memref_slice %arg2[%mul3A_0] : memref<131072xi32, #tpu.memory_space<hbm>> -> memref<8192xi32, #tpu.memory_space<hbm>>
      %dma_start3A_76 = tpu.memref_slice %arg2[%mul3A_0] : memref<131072xi32, #tpu.memory_space<hbm>> -> memref<8192xi32, #tpu.memory_space<hbm>>
      tpu.enqueue_dma source(%dma_start3A_76 : memref<8192xi32, #tpu.memory_space<hbm>>) target(%arg6 : memref<8192xi32, #tpu.memory_space<vmem>>) target_semaphore(%run_scoped3A : memref<!tpu.dma_semaphore, #tpu.memory_space<semaphore_mem>>)
      %dma_wait3A = tpu.memref_slice %arg2[%mul3A_0] : memref<131072xi32, #tpu.memory_space<hbm>> -> memref<8192xi32, #tpu.memory_space<hbm>>
      %dma_wait3A_77 = tpu.memref_slice %arg2[%mul3A_0] : memref<131072xi32, #tpu.memory_space<hbm>> -> memref<8192xi32, #tpu.memory_space<hbm>>
      tpu.wait_dma2 semaphore(%run_scoped3A : memref<!tpu.dma_semaphore, #tpu.memory_space<semaphore_mem>>) src(%dma_wait3A_77 : memref<8192xi32, #tpu.memory_space<hbm>>) dst(%arg6 : memref<8192xi32, #tpu.memory_space<vmem>>)
      tpu.yield
    }) : () -> ()
    "tpu.region"() ({
      %run_scoped3A = tpu.sem_alloc : memref<!tpu.dma_semaphore, #tpu.memory_space<semaphore_mem>>
      tpu.enqueue_dma source(%arg4 : memref<1024x8xf32, #tpu.memory_space<hbm>>) target(%arg14 : memref<1024x8xf32, #tpu.memory_space<vmem>>) target_semaphore(%run_scoped3A : memref<!tpu.dma_semaphore, #tpu.memory_space<semaphore_mem>>)
      tpu.wait_dma2 semaphore(%run_scoped3A : memref<!tpu.dma_semaphore, #tpu.memory_space<semaphore_mem>>) src(%arg4 : memref<1024x8xf32, #tpu.memory_space<hbm>>) dst(%arg14 : memref<1024x8xf32, #tpu.memory_space<vmem>>)
      tpu.yield
    }) : () -> ()
    %mul3A_1 = arith.constant 8 : i32
    %mul3A_2 = arith.muli %mul3A_1, %arg1 : i32
    %add3A = arith.constant 131072 : i32
    %add3A_3 = arith.addi %add3A, %mul3A_2 : i32
    %broadcast_in_dim3A = vector.broadcast %add3A_3 : i32 to vector<16xi32>
    %broadcast_in_dim3A_4 = arith.constant 0 : i32
    %broadcast_in_dim3A_5 = vector.broadcast %broadcast_in_dim3A_4 : i32 to vector<16xi32>
    %broadcast_in_dim3A_6 = arith.constant 1 : i32
    %broadcast_in_dim3A_7 = vector.broadcast %broadcast_in_dim3A_6 : i32 to vector<16xi32>
    %iota3A = tpu.iota {dimensions = array<i32: 0>} : vector<16xi32>
    %scan3A = arith.constant 0 : i32
    %scan3A_8 = arith.constant 0 : i32
    %scan3A_9 = arith.constant 769 : i32
    %scan3A_10 = arith.addi %scan3A_8, %scan3A_9 : i32
    %scan3A_11 = arith.constant 1 : i32
    scf.for %scan3A_76 = %scan3A_8 to %scan3A_10 step %scan3A_11  : i32 {
      %mul3A_77 = arith.constant 16 : i32
      %mul3A_78 = arith.muli %scan3A_76, %mul3A_77 : i32
      %swap3A_79 = arith.index_cast %mul3A_78 : i32 to index
      %swap3A_80 = tpu.vector_load %arg7[%swap3A_79] {strides = array<i32>} : memref<12304xi32, #tpu.memory_space<vmem>>, vector<16xi32>,
      tpu.vector_store %arg7[%swap3A_79], %broadcast_in_dim3A_5 {strides = array<i32>} : memref<12304xi32, #tpu.memory_space<vmem>>, vector<16xi32>,
      %mul3A_81 = arith.constant 16 : i32
      %mul3A_82 = arith.muli %scan3A_76, %mul3A_81 : i32
      %swap3A_83 = arith.index_cast %mul3A_82 : i32 to index
      %swap3A_84 = tpu.vector_load %arg8[%swap3A_83] {strides = array<i32>} : memref<12304xi32, #tpu.memory_space<vmem>>, vector<16xi32>,
      tpu.vector_store %arg8[%swap3A_83], %broadcast_in_dim3A {strides = array<i32>} : memref<12304xi32, #tpu.memory_space<vmem>>, vector<16xi32>,
    }
    %scan3A_12 = arith.constant 769 : i32
    %swap3A = arith.constant 0 : index
    %swap3A_13 = tpu.vector_load %arg9[%swap3A] {strides = array<i32>} : memref<32xi32, #tpu.memory_space<vmem>>, vector<16xi32>,
    tpu.vector_store %arg9[%swap3A], %broadcast_in_dim3A_5 {strides = array<i32>} : memref<32xi32, #tpu.memory_space<vmem>>, vector<16xi32>,
    %swap3A_14 = arith.constant 16 : index
    %swap3A_15 = tpu.vector_load %arg9[%swap3A_14] {strides = array<i32>} : memref<32xi32, #tpu.memory_space<vmem>>, vector<16xi32>,
    tpu.vector_store %arg9[%swap3A_14], %broadcast_in_dim3A_5 {strides = array<i32>} : memref<32xi32, #tpu.memory_space<vmem>>, vector<16xi32>,
    %scan3A_16 = arith.constant 0 : i32
    %scan3A_17 = arith.constant 0 : i32
    %scan3A_18 = arith.constant 512 : i32
    %scan3A_19 = arith.addi %scan3A_17, %scan3A_18 : i32
    %scan3A_20 = arith.constant 1 : i32
    scf.for %scan3A_76 = %scan3A_17 to %scan3A_19 step %scan3A_20  : i32 {
      %mul3A_77 = arith.constant 16 : i32
      %mul3A_78 = arith.muli %scan3A_76, %mul3A_77 : i32
      %broadcast_in_dim3A_79 = vector.broadcast %mul3A_78 : i32 to vector<16xi32>
      %add3A_80 = arith.addi %broadcast_in_dim3A_79, %iota3A : vector<16xi32>
      %gather3A = tpu.vector_load_idx %arg6[%add3A_80] : memref<8192xi32, #tpu.memory_space<vmem>>[vector<16xi32>], vector<16xi32>,
      %shift_right_logical3A_81 = arith.constant 17 : i32
      %shift_right_logical3A_82 = vector.broadcast %shift_right_logical3A_81 : i32 to vector<16xi32>
      %shift_right_logical3A_83 = arith.shrui %gather3A, %shift_right_logical3A_82 : vector<16xi32>
      tpu.vector_store_idx %arg9[%shift_right_logical3A_83], %broadcast_in_dim3A_7 {add = true} : memref<32xi32, #tpu.memory_space<vmem>>[vector<16xi32>], vector<16xi32>,
    }
    %scan3A_21 = arith.constant 512 : i32
    %get3A = arith.constant 0 : index
    %get3A_22 = tpu.vector_load %arg9[%get3A] {strides = array<i32>} : memref<32xi32, #tpu.memory_space<vmem>>, vector<16xi32>,
    %get3A_23 = arith.constant 16 : index
    %get3A_24 = tpu.vector_load %arg9[%get3A_23] {strides = array<i32>} : memref<32xi32, #tpu.memory_space<vmem>>, vector<16xi32>,
    %add3A_25 = arith.constant 127 : i32
    %add3A_26 = vector.broadcast %add3A_25 : i32 to vector<16xi32>
    %add3A_27 = arith.addi %get3A_22, %add3A_26 : vector<16xi32>
    %shift_right_logical3A = arith.constant 7 : i32
    %shift_right_logical3A_28 = vector.broadcast %shift_right_logical3A : i32 to vector<16xi32>
    %shift_right_logical3A_29 = arith.shrui %add3A_27, %shift_right_logical3A_28 : vector<16xi32>
    %shift_left3A = arith.constant 7 : i32
    %shift_left3A_30 = vector.broadcast %shift_left3A : i32 to vector<16xi32>
    %shift_left3A_31 = arith.shli %shift_right_logical3A_29, %shift_left3A_30 : vector<16xi32>
    %add3A_32 = arith.constant 127 : i32
    %add3A_33 = vector.broadcast %add3A_32 : i32 to vector<16xi32>
    %add3A_34 = arith.addi %get3A_24, %add3A_33 : vector<16xi32>
    %shift_right_logical3A_35 = arith.constant 7 : i32
    %shift_right_logical3A_36 = vector.broadcast %shift_right_logical3A_35 : i32 to vector<16xi32>
    %shift_right_logical3A_37 = arith.shrui %add3A_34, %shift_right_logical3A_36 : vector<16xi32>
    %shift_left3A_38 = arith.constant 7 : i32
    %shift_left3A_39 = vector.broadcast %shift_left3A_38 : i32 to vector<16xi32>
    %shift_left3A_40 = arith.shli %shift_right_logical3A_37, %shift_left3A_39 : vector<16xi32>
    %broadcast_in_dim3A_41 = arith.constant true
    %broadcast_in_dim3A_42 = vector.broadcast %broadcast_in_dim3A_41 : i1 to vector<16xi1>
    %masked_cumsum3A = tpu.scan <sum>, %shift_left3A_31 masked %broadcast_in_dim3A_42 : vector<16xi32>, vector<16xi1> -> vector<16xi32>
    %sub3A = arith.subi %masked_cumsum3A, %shift_left3A_31 : vector<16xi32>
    %reduce_sum3A = arith.constant true
    %reduce_sum3A_43 = vector.broadcast %reduce_sum3A : i1 to vector<16xi1>
    %reduce_sum3A_44 = tpu.scan <sum>, %shift_left3A_31 masked %reduce_sum3A_43 : vector<16xi32>, vector<16xi1> -> vector<16xi32>
    %reduce_sum3A_45 = vector.extract %reduce_sum3A_44[15] : i32 from vector<16xi32>
    %broadcast_in_dim3A_46 = arith.constant true
    %broadcast_in_dim3A_47 = vector.broadcast %broadcast_in_dim3A_46 : i1 to vector<16xi1>
    %masked_cumsum3A_48 = tpu.scan <sum>, %shift_left3A_40 masked %broadcast_in_dim3A_47 : vector<16xi32>, vector<16xi1> -> vector<16xi32>
    %sub3A_49 = arith.subi %masked_cumsum3A_48, %shift_left3A_40 : vector<16xi32>
    %broadcast_in_dim3A_50 = vector.broadcast %reduce_sum3A_45 : i32 to vector<16xi32>
    %add3A_51 = arith.addi %sub3A_49, %broadcast_in_dim3A_50 : vector<16xi32>
    %swap3A_52 = arith.constant 0 : index
    %swap3A_53 = tpu.vector_load %arg10[%swap3A_52] {strides = array<i32>} : memref<32xi32, #tpu.memory_space<vmem>>, vector<16xi32>,
    tpu.vector_store %arg10[%swap3A_52], %sub3A {strides = array<i32>} : memref<32xi32, #tpu.memory_space<vmem>>, vector<16xi32>,
    %swap3A_54 = arith.constant 16 : index
    %swap3A_55 = tpu.vector_load %arg10[%swap3A_54] {strides = array<i32>} : memref<32xi32, #tpu.memory_space<vmem>>, vector<16xi32>,
    tpu.vector_store %arg10[%swap3A_54], %add3A_51 {strides = array<i32>} : memref<32xi32, #tpu.memory_space<vmem>>, vector<16xi32>,
    %swap3A_56 = arith.constant 0 : index
    %swap3A_57 = tpu.vector_load %arg11[%swap3A_56] {strides = array<i32>} : memref<32xi32, #tpu.memory_space<vmem>>, vector<16xi32>,
    tpu.vector_store %arg11[%swap3A_56], %shift_left3A_31 {strides = array<i32>} : memref<32xi32, #tpu.memory_space<vmem>>, vector<16xi32>,
    %swap3A_58 = arith.constant 16 : index
    %swap3A_59 = tpu.vector_load %arg11[%swap3A_58] {strides = array<i32>} : memref<32xi32, #tpu.memory_space<vmem>>, vector<16xi32>,
    tpu.vector_store %arg11[%swap3A_58], %shift_left3A_40 {strides = array<i32>} : memref<32xi32, #tpu.memory_space<vmem>>, vector<16xi32>,
    %swap3A_60 = arith.constant 0 : index
    %swap3A_61 = tpu.vector_load %arg12[%swap3A_60] {strides = array<i32>} : memref<32xi32, #tpu.memory_space<vmem>>, vector<16xi32>,
    tpu.vector_store %arg12[%swap3A_60], %sub3A {strides = array<i32>} : memref<32xi32, #tpu.memory_space<vmem>>, vector<16xi32>,
    %swap3A_62 = arith.constant 16 : index
    %swap3A_63 = tpu.vector_load %arg12[%swap3A_62] {strides = array<i32>} : memref<32xi32, #tpu.memory_space<vmem>>, vector<16xi32>,
    tpu.vector_store %arg12[%swap3A_62], %add3A_51 {strides = array<i32>} : memref<32xi32, #tpu.memory_space<vmem>>, vector<16xi32>,
    %scan3A_64 = arith.constant 0 : i32
    %scan3A_65 = arith.constant 0 : i32
    %scan3A_66 = arith.constant 512 : i32
    %scan3A_67 = arith.addi %scan3A_65, %scan3A_66 : i32
    %scan3A_68 = arith.constant 1 : i32
    scf.for %scan3A_76 = %scan3A_65 to %scan3A_67 step %scan3A_68  : i32 {
      %mul3A_77 = arith.constant 16 : i32
      %mul3A_78 = arith.muli %scan3A_76, %mul3A_77 : i32
      %broadcast_in_dim3A_79 = vector.broadcast %mul3A_78 : i32 to vector<16xi32>
      %add3A_80 = arith.addi %broadcast_in_dim3A_79, %iota3A : vector<16xi32>
      %gather3A = tpu.vector_load_idx %arg6[%add3A_80] : memref<8192xi32, #tpu.memory_space<vmem>>[vector<16xi32>], vector<16xi32>,
      %shift_right_logical3A_81 = arith.constant 17 : i32
      %shift_right_logical3A_82 = vector.broadcast %shift_right_logical3A_81 : i32 to vector<16xi32>
      %shift_right_logical3A_83 = arith.shrui %gather3A, %shift_right_logical3A_82 : vector<16xi32>
      %broadcast_in_dim3A_84 = arith.constant true
      %broadcast_in_dim3A_85 = vector.broadcast %broadcast_in_dim3A_84 : i1 to vector<16xi1>
      %unique3A, %unique3A_86 = tpu.scan_count mask(%broadcast_in_dim3A_85 : vector<16xi1>) value(%shift_right_logical3A_83 : vector<16xi32>) : vector<16xi1>, vector<16xi32>
      %gather3A_87 = tpu.vector_load_idx %arg12[%shift_right_logical3A_83] : memref<32xi32, #tpu.memory_space<vmem>>[vector<16xi32>], vector<16xi32>,
      %add3A_88 = arith.addi %gather3A_87, %unique3A_86 : vector<16xi32>
      %sub3A_89 = arith.subi %add3A_88, %broadcast_in_dim3A_7 : vector<16xi32>
      %mul3A_90 = arith.constant 16 : i32
      %mul3A_91 = arith.muli %scan3A_76, %mul3A_90 : i32
      %add3A_92 = arith.addi %mul3A_0, %mul3A_91 : i32
      %broadcast_in_dim3A_93 = vector.broadcast %add3A_92 : i32 to vector<16xi32>
      %add3A_94 = arith.addi %broadcast_in_dim3A_93, %iota3A : vector<16xi32>
      tpu.vector_store_idx %arg7[%sub3A_89], %add3A_94 : memref<12304xi32, #tpu.memory_space<vmem>>[vector<16xi32>], vector<16xi32>,
      %and3A = arith.constant 131071 : i32
      %and3A_95 = vector.broadcast %and3A : i32 to vector<16xi32>
      %and3A_96 = arith.andi %gather3A, %and3A_95 : vector<16xi32>
      tpu.vector_store_idx %arg8[%sub3A_89], %and3A_96 : memref<12304xi32, #tpu.memory_space<vmem>>[vector<16xi32>], vector<16xi32>,
      tpu.vector_store_idx %arg12[%shift_right_logical3A_83], %broadcast_in_dim3A_7 {add = true} : memref<32xi32, #tpu.memory_space<vmem>>[vector<16xi32>], vector<16xi32>,
    }
    %scan3A_69 = arith.constant 512 : i32
    %scan3A_70 = arith.constant 0 : i32
    %scan3A_71 = arith.constant 0 : i32
    %scan3A_72 = arith.constant 16 : i32
    %scan3A_73 = arith.addi %scan3A_71, %scan3A_72 : i32
    %scan3A_74 = arith.constant 1 : i32
    scf.for %scan3A_76 = %scan3A_71 to %scan3A_73 step %scan3A_74  : i32 {
      %mul3A_77 = arith.constant 2 : i32
      %mul3A_78 = arith.muli %mul3A_77, %scan3A_76 : i32
      %add3A_79 = arith.addi %mul3A_78, %arg0 : i32
      %scan3A_80 = arith.constant 0 : i32
      %scan3A_81 = arith.constant 0 : i32
      %scan3A_82 = arith.constant 8 : i32
      %scan3A_83 = arith.addi %scan3A_81, %scan3A_82 : i32
      %scan3A_84 = arith.constant 1 : i32
      scf.for %scan3A_127 = %scan3A_81 to %scan3A_83 step %scan3A_84  : i32 {
        %mul3A_128 = arith.constant 8192 : i32
        %mul3A_129 = arith.muli %arg1, %mul3A_128 : i32
        %mul3A_130 = arith.constant 1024 : i32
        %mul3A_131 = arith.muli %scan3A_127, %mul3A_130 : i32
        %add3A_132 = arith.addi %mul3A_129, %mul3A_131 : i32
        %dma_start3A = arith.constant 0 : i32
        %dma_start3A_133 = tpu.memref_slice %arg17[%add3A_132, %dma_start3A] : memref<131328x8xf32, #tpu.memory_space<vmem_shared>> -> memref<1024x8xf32, #tpu.memory_space<vmem_shared>>
        %dma_start3A_134 = arith.constant 0 : i32
        %dma_start3A_135 = tpu.memref_slice %arg17[%add3A_132, %dma_start3A_134] : memref<131328x8xf32, #tpu.memory_space<vmem_shared>> -> memref<1024x8xf32, #tpu.memory_space<vmem_shared>>
        tpu.enqueue_dma source(%arg14 : memref<1024x8xf32, #tpu.memory_space<vmem>>) target(%dma_start3A_135 : memref<1024x8xf32, #tpu.memory_space<vmem_shared>>) target_semaphore(%arg19 : memref<!tpu.dma_semaphore, #tpu.memory_space<semaphore_mem>>)
      }
      %scan3A_85 = arith.constant 8 : i32
      %scan3A_86 = arith.constant 0 : i32
      %scan3A_87 = arith.constant 0 : i32
      %scan3A_88 = arith.constant 8 : i32
      %scan3A_89 = arith.addi %scan3A_87, %scan3A_88 : i32
      %scan3A_90 = arith.constant 1 : i32
      scf.for %scan3A_127 = %scan3A_87 to %scan3A_89 step %scan3A_90  : i32 {
        %mul3A_128 = arith.constant 8192 : i32
        %mul3A_129 = arith.muli %arg1, %mul3A_128 : i32
        %mul3A_130 = arith.constant 1024 : i32
        %mul3A_131 = arith.muli %scan3A_127, %mul3A_130 : i32
        %add3A_132 = arith.addi %mul3A_129, %mul3A_131 : i32
        %dma_wait3A = arith.constant 0 : i32
        %dma_wait3A_133 = tpu.memref_slice %arg17[%add3A_132, %dma_wait3A] : memref<131328x8xf32, #tpu.memory_space<vmem_shared>> -> memref<1024x8xf32, #tpu.memory_space<vmem_shared>>
        %dma_wait3A_134 = arith.constant 0 : i32
        %dma_wait3A_135 = tpu.memref_slice %arg17[%add3A_132, %dma_wait3A_134] : memref<131328x8xf32, #tpu.memory_space<vmem_shared>> -> memref<1024x8xf32, #tpu.memory_space<vmem_shared>>
        tpu.wait_dma2 semaphore(%arg19 : memref<!tpu.dma_semaphore, #tpu.memory_space<semaphore_mem>>) src(%arg14 : memref<1024x8xf32, #tpu.memory_space<vmem>>) dst(%dma_wait3A_135 : memref<1024x8xf32, #tpu.memory_space<vmem_shared>>)
      }
      %scan3A_91 = arith.constant 8 : i32
      %broadcast_in_dim3A_92 = vector.broadcast %add3A_79 : i32 to vector<16xi32>
      %gather3A = tpu.vector_load_idx %arg10[%broadcast_in_dim3A_92] : memref<32xi32, #tpu.memory_space<vmem>>[vector<16xi32>], vector<16xi32>,
      %reduce_max3A = arith.constant true
      %reduce_max3A_93 = vector.broadcast %reduce_max3A : i1 to vector<16xi1>
      %reduce_max3A_94 = arith.constant -2147483648 : i32
      %reduce_max3A_95 = vector.broadcast %reduce_max3A_94 : i32 to vector<16xi32>
      %reduce_max3A_96 = arith.xori %gather3A, %reduce_max3A_95 : vector<16xi32>
      %reduce_max3A_97 = tpu.scan <max>, %reduce_max3A_96 masked %reduce_max3A_93 : vector<16xi32>, vector<16xi1> -> vector<16xi32>
      %reduce_max3A_98 = arith.xori %reduce_max3A_97, %reduce_max3A_95 : vector<16xi32>
      %reduce_max3A_99 = vector.extract %reduce_max3A_98[15] : i32 from vector<16xi32>
      %multiple_of3A = tpu.assume_multiple %reduce_max3A_99, 128 : i32
      %gather3A_100 = tpu.vector_load_idx %arg11[%broadcast_in_dim3A_92] : memref<32xi32, #tpu.memory_space<vmem>>[vector<16xi32>], vector<16xi32>,
      %reduce_max3A_101 = arith.constant true
      %reduce_max3A_102 = vector.broadcast %reduce_max3A_101 : i1 to vector<16xi1>
      %reduce_max3A_103 = arith.constant -2147483648 : i32
      %reduce_max3A_104 = vector.broadcast %reduce_max3A_103 : i32 to vector<16xi32>
      %reduce_max3A_105 = arith.xori %gather3A_100, %reduce_max3A_104 : vector<16xi32>
      %reduce_max3A_106 = tpu.scan <max>, %reduce_max3A_105 masked %reduce_max3A_102 : vector<16xi32>, vector<16xi1> -> vector<16xi32>
      %reduce_max3A_107 = arith.xori %reduce_max3A_106, %reduce_max3A_104 : vector<16xi32>
      %reduce_max3A_108 = vector.extract %reduce_max3A_107[15] : i32 from vector<16xi32>
      %shift_right_logical3A_109 = arith.constant 7 : i32
      %shift_right_logical3A_110 = arith.shrui %reduce_max3A_108, %shift_right_logical3A_109 : i32
      %barrier3A = arith.constant 0 : index
      tpu.barrier barrier_id(%barrier3A)
      %while3A = arith.constant 0 : i32
      %while3A_111 = arith.constant 0 : i32
      %while3A_112 = arith.subi %shift_right_logical3A_110, %while3A_111 : i32
      %while3A_113 = arith.addi %while3A_111, %while3A_112 : i32
      %while3A_114 = arith.constant 1 : i32
      %while3A_115 = arith.divsi %while3A_112, %while3A_114 : i32
      %while3A_116 = arith.muli %while3A_115, %while3A_114 : i32
      %while3A_117 = arith.addi %while3A_111, %while3A_116 : i32
      %while3A_118 = arith.constant 1 : i32
      scf.for %while3A_127 = %while3A_111 to %while3A_117 step %while3A_118  : i32 {
        %mul3A_128 = arith.constant 128 : i32
        %mul3A_129 = arith.muli %while3A_127, %mul3A_128 : i32
        %add3A_130 = arith.addi %multiple_of3A, %mul3A_129 : i32
        %multiple_of3A_131 = tpu.assume_multiple %add3A_130, 128 : i32
        %dma_start3A = tpu.memref_slice %arg7[%multiple_of3A_131] : memref<12304xi32, #tpu.memory_space<vmem>> -> memref<128xi32, #tpu.memory_space<vmem>>
        %dma_start3A_132 = arith.constant 0 : i32
        %dma_start3A_133 = arith.constant 0 : i32
        %dma_start3A_134 = tpu.memref_slice %arg3[%dma_start3A_132, %dma_start3A_133] : memref<131072x8xf32, #tpu.memory_space<hbm>> -> memref<131072x8xf32, #tpu.memory_space<hbm>>
        tpu.enqueue_indirect_dma source(%dma_start3A_134 : memref<131072x8xf32, #tpu.memory_space<hbm>>) target(%arg13 : memref<128x8xf32, #tpu.memory_space<vmem>>) offsets(%dma_start3A : memref<128xi32, #tpu.memory_space<vmem>>) semaphore(%arg18 : memref<!tpu.dma_semaphore, #tpu.memory_space<semaphore_mem>>)
        %dma_wait3A = tpu.memref_slice %arg7[%multiple_of3A_131] : memref<12304xi32, #tpu.memory_space<vmem>> -> memref<128xi32, #tpu.memory_space<vmem>>
        %dma_wait3A_135 = arith.constant 0 : i32
        %dma_wait3A_136 = arith.constant 0 : i32
        %dma_wait3A_137 = tpu.memref_slice %arg3[%dma_wait3A_135, %dma_wait3A_136] : memref<131072x8xf32, #tpu.memory_space<hbm>> -> memref<131072x8xf32, #tpu.memory_space<hbm>>
        tpu.wait_indirect_dma semaphore(%arg18 : memref<!tpu.dma_semaphore, #tpu.memory_space<semaphore_mem>>) src(%dma_wait3A_137 : memref<131072x8xf32, #tpu.memory_space<hbm>>) dst(%arg13 : memref<128x8xf32, #tpu.memory_space<vmem>>)
        %scan3A_138 = arith.constant 0 : i32
        %scan3A_139 = arith.constant 8 : i32
        %scan3A_140 = arith.addi %scan3A_138, %scan3A_139 : i32
        %scan3A_141 = arith.constant 1 : i32
        scf.for %scan3A_148 = %scan3A_138 to %scan3A_140 step %scan3A_141  : i32 {
          %mul3A_149 = arith.constant 16 : i32
          %mul3A_150 = arith.muli %scan3A_148, %mul3A_149 : i32
          %add3A_151 = arith.addi %multiple_of3A_131, %mul3A_150 : i32
          %broadcast_in_dim3A_152 = vector.broadcast %add3A_151 : i32 to vector<16xi32>
          %add3A_153 = arith.addi %broadcast_in_dim3A_152, %iota3A : vector<16xi32>
          %gather3A_154 = tpu.vector_load_idx %arg8[%add3A_153] : memref<12304xi32, #tpu.memory_space<vmem>>[vector<16xi32>], vector<16xi32>,
          %mul3A_155 = arith.constant 16 : i32
          %mul3A_156 = arith.muli %scan3A_148, %mul3A_155 : i32
          %dma_start3A_157 = arith.constant 0 : i32
          %dma_start3A_158 = tpu.memref_slice %arg13[%mul3A_156, %dma_start3A_157] : memref<128x8xf32, #tpu.memory_space<vmem>> -> memref<16x8xf32, #tpu.memory_space<vmem>>
          %dma_start3A_159 = arith.constant 0 : i32
          %dma_start3A_160 = arith.constant 0 : i32
          %dma_start3A_161 = tpu.memref_slice %arg17[%dma_start3A_159, %dma_start3A_160] : memref<131328x8xf32, #tpu.memory_space<vmem_shared>> -> memref<131328x8xf32, #tpu.memory_space<vmem_shared>>
          tpu.enqueue_indirect_dma source(%dma_start3A_158 : memref<16x8xf32, #tpu.memory_space<vmem>>) target(%dma_start3A_161 : memref<131328x8xf32, #tpu.memory_space<vmem_shared>>) offsets(%gather3A_154 : vector<16xi32>) semaphore(%arg20 : memref<!tpu.dma_semaphore, #tpu.memory_space<semaphore_mem>>) {add = true}
        }
        %scan3A_142 = arith.constant 8 : i32
        %scan3A_143 = arith.constant 0 : i32
        %scan3A_144 = arith.constant 8 : i32
        %scan3A_145 = arith.addi %scan3A_143, %scan3A_144 : i32
        %scan3A_146 = arith.constant 1 : i32
        scf.for %scan3A_148 = %scan3A_143 to %scan3A_145 step %scan3A_146  : i32 {
          %mul3A_149 = arith.constant 16 : i32
          %mul3A_150 = arith.muli %scan3A_148, %mul3A_149 : i32
          %add3A_151 = arith.addi %multiple_of3A_131, %mul3A_150 : i32
          %broadcast_in_dim3A_152 = vector.broadcast %add3A_151 : i32 to vector<16xi32>
          %add3A_153 = arith.addi %broadcast_in_dim3A_152, %iota3A : vector<16xi32>
          %gather3A_154 = tpu.vector_load_idx %arg8[%add3A_153] : memref<12304xi32, #tpu.memory_space<vmem>>[vector<16xi32>], vector<16xi32>,
          %mul3A_155 = arith.constant 16 : i32
          %mul3A_156 = arith.muli %scan3A_148, %mul3A_155 : i32
          %dma_wait3A_157 = arith.constant 0 : i32
          %dma_wait3A_158 = tpu.memref_slice %arg13[%mul3A_156, %dma_wait3A_157] : memref<128x8xf32, #tpu.memory_space<vmem>> -> memref<16x8xf32, #tpu.memory_space<vmem>>
          %dma_wait3A_159 = arith.constant 0 : i32
          %dma_wait3A_160 = arith.constant 0 : i32
          %dma_wait3A_161 = tpu.memref_slice %arg17[%dma_wait3A_159, %dma_wait3A_160] : memref<131328x8xf32, #tpu.memory_space<vmem_shared>> -> memref<131328x8xf32, #tpu.memory_space<vmem_shared>>
          tpu.wait_indirect_dma semaphore(%arg20 : memref<!tpu.dma_semaphore, #tpu.memory_space<semaphore_mem>>) src(%dma_wait3A_158 : memref<16x8xf32, #tpu.memory_space<vmem>>) dst(%dma_wait3A_161 : memref<131328x8xf32, #tpu.memory_space<vmem_shared>>)
        }
        %scan3A_147 = arith.constant 8 : i32
      }
      %while3A_119 = arith.constant 1 : i32
      scf.for %while3A_127 = %while3A_117 to %while3A_113 step %while3A_119  : i32 {
        %mul3A_128 = arith.constant 128 : i32
        %mul3A_129 = arith.muli %while3A_127, %mul3A_128 : i32
        %add3A_130 = arith.addi %multiple_of3A, %mul3A_129 : i32
        %multiple_of3A_131 = tpu.assume_multiple %add3A_130, 128 : i32
        %dma_start3A = tpu.memref_slice %arg7[%multiple_of3A_131] : memref<12304xi32, #tpu.memory_space<vmem>> -> memref<128xi32, #tpu.memory_space<vmem>>
        %dma_start3A_132 = arith.constant 0 : i32
        %dma_start3A_133 = arith.constant 0 : i32
        %dma_start3A_134 = tpu.memref_slice %arg3[%dma_start3A_132, %dma_start3A_133] : memref<131072x8xf32, #tpu.memory_space<hbm>> -> memref<131072x8xf32, #tpu.memory_space<hbm>>
        tpu.enqueue_indirect_dma source(%dma_start3A_134 : memref<131072x8xf32, #tpu.memory_space<hbm>>) target(%arg13 : memref<128x8xf32, #tpu.memory_space<vmem>>) offsets(%dma_start3A : memref<128xi32, #tpu.memory_space<vmem>>) semaphore(%arg18 : memref<!tpu.dma_semaphore, #tpu.memory_space<semaphore_mem>>)
        %dma_wait3A = tpu.memref_slice %arg7[%multiple_of3A_131] : memref<12304xi32, #tpu.memory_space<vmem>> -> memref<128xi32, #tpu.memory_space<vmem>>
        %dma_wait3A_135 = arith.constant 0 : i32
        %dma_wait3A_136 = arith.constant 0 : i32
        %dma_wait3A_137 = tpu.memref_slice %arg3[%dma_wait3A_135, %dma_wait3A_136] : memref<131072x8xf32, #tpu.memory_space<hbm>> -> memref<131072x8xf32, #tpu.memory_space<hbm>>
        tpu.wait_indirect_dma semaphore(%arg18 : memref<!tpu.dma_semaphore, #tpu.memory_space<semaphore_mem>>) src(%dma_wait3A_137 : memref<131072x8xf32, #tpu.memory_space<hbm>>) dst(%arg13 : memref<128x8xf32, #tpu.memory_space<vmem>>)
        %scan3A_138 = arith.constant 0 : i32
        %scan3A_139 = arith.constant 8 : i32
        %scan3A_140 = arith.addi %scan3A_138, %scan3A_139 : i32
        %scan3A_141 = arith.constant 1 : i32
        scf.for %scan3A_148 = %scan3A_138 to %scan3A_140 step %scan3A_141  : i32 {
          %mul3A_149 = arith.constant 16 : i32
          %mul3A_150 = arith.muli %scan3A_148, %mul3A_149 : i32
          %add3A_151 = arith.addi %multiple_of3A_131, %mul3A_150 : i32
          %broadcast_in_dim3A_152 = vector.broadcast %add3A_151 : i32 to vector<16xi32>
          %add3A_153 = arith.addi %broadcast_in_dim3A_152, %iota3A : vector<16xi32>
          %gather3A_154 = tpu.vector_load_idx %arg8[%add3A_153] : memref<12304xi32, #tpu.memory_space<vmem>>[vector<16xi32>], vector<16xi32>,
          %mul3A_155 = arith.constant 16 : i32
          %mul3A_156 = arith.muli %scan3A_148, %mul3A_155 : i32
          %dma_start3A_157 = arith.constant 0 : i32
          %dma_start3A_158 = tpu.memref_slice %arg13[%mul3A_156, %dma_start3A_157] : memref<128x8xf32, #tpu.memory_space<vmem>> -> memref<16x8xf32, #tpu.memory_space<vmem>>
          %dma_start3A_159 = arith.constant 0 : i32
          %dma_start3A_160 = arith.constant 0 : i32
          %dma_start3A_161 = tpu.memref_slice %arg17[%dma_start3A_159, %dma_start3A_160] : memref<131328x8xf32, #tpu.memory_space<vmem_shared>> -> memref<131328x8xf32, #tpu.memory_space<vmem_shared>>
          tpu.enqueue_indirect_dma source(%dma_start3A_158 : memref<16x8xf32, #tpu.memory_space<vmem>>) target(%dma_start3A_161 : memref<131328x8xf32, #tpu.memory_space<vmem_shared>>) offsets(%gather3A_154 : vector<16xi32>) semaphore(%arg20 : memref<!tpu.dma_semaphore, #tpu.memory_space<semaphore_mem>>) {add = true}
        }
        %scan3A_142 = arith.constant 8 : i32
        %scan3A_143 = arith.constant 0 : i32
        %scan3A_144 = arith.constant 8 : i32
        %scan3A_145 = arith.addi %scan3A_143, %scan3A_144 : i32
        %scan3A_146 = arith.constant 1 : i32
        scf.for %scan3A_148 = %scan3A_143 to %scan3A_145 step %scan3A_146  : i32 {
          %mul3A_149 = arith.constant 16 : i32
          %mul3A_150 = arith.muli %scan3A_148, %mul3A_149 : i32
          %add3A_151 = arith.addi %multiple_of3A_131, %mul3A_150 : i32
          %broadcast_in_dim3A_152 = vector.broadcast %add3A_151 : i32 to vector<16xi32>
          %add3A_153 = arith.addi %broadcast_in_dim3A_152, %iota3A : vector<16xi32>
          %gather3A_154 = tpu.vector_load_idx %arg8[%add3A_153] : memref<12304xi32, #tpu.memory_space<vmem>>[vector<16xi32>], vector<16xi32>,
          %mul3A_155 = arith.constant 16 : i32
          %mul3A_156 = arith.muli %scan3A_148, %mul3A_155 : i32
          %dma_wait3A_157 = arith.constant 0 : i32
          %dma_wait3A_158 = tpu.memref_slice %arg13[%mul3A_156, %dma_wait3A_157] : memref<128x8xf32, #tpu.memory_space<vmem>> -> memref<16x8xf32, #tpu.memory_space<vmem>>
          %dma_wait3A_159 = arith.constant 0 : i32
          %dma_wait3A_160 = arith.constant 0 : i32
          %dma_wait3A_161 = tpu.memref_slice %arg17[%dma_wait3A_159, %dma_wait3A_160] : memref<131328x8xf32, #tpu.memory_space<vmem_shared>> -> memref<131328x8xf32, #tpu.memory_space<vmem_shared>>
          tpu.wait_indirect_dma semaphore(%arg20 : memref<!tpu.dma_semaphore, #tpu.memory_space<semaphore_mem>>) src(%dma_wait3A_158 : memref<16x8xf32, #tpu.memory_space<vmem>>) dst(%dma_wait3A_161 : memref<131328x8xf32, #tpu.memory_space<vmem_shared>>)
        }
        %scan3A_147 = arith.constant 8 : i32
      }
      %barrier3A_120 = arith.constant 0 : index
      tpu.barrier barrier_id(%barrier3A_120)
      %scan3A_121 = arith.constant 0 : i32
      %scan3A_122 = arith.constant 0 : i32
      %scan3A_123 = arith.constant 8 : i32
      %scan3A_124 = arith.addi %scan3A_122, %scan3A_123 : i32
      %scan3A_125 = arith.constant 1 : i32
      scf.for %scan3A_127 = %scan3A_122 to %scan3A_124 step %scan3A_125  : i32 {
        %mul3A_128 = arith.constant 8192 : i32
        %mul3A_129 = arith.muli %arg1, %mul3A_128 : i32
        %mul3A_130 = arith.constant 1024 : i32
        %mul3A_131 = arith.muli %scan3A_127, %mul3A_130 : i32
        %add3A_132 = arith.addi %mul3A_129, %mul3A_131 : i32
        "tpu.region"() ({
          %run_scoped3A = tpu.sem_alloc : memref<!tpu.dma_semaphore, #tpu.memory_space<semaphore_mem>>
          %dma_start3A_235 = arith.constant 0 : i32
          %dma_start3A_236 = tpu.memref_slice %arg17[%add3A_132, %dma_start3A_235] : memref<131328x8xf32, #tpu.memory_space<vmem_shared>> -> memref<1024x8xf32, #tpu.memory_space<vmem_shared>>
          %dma_start3A_237 = arith.constant 0 : i32
          %dma_start3A_238 = tpu.memref_slice %arg17[%add3A_132, %dma_start3A_237] : memref<131328x8xf32, #tpu.memory_space<vmem_shared>> -> memref<1024x8xf32, #tpu.memory_space<vmem_shared>>
          tpu.enqueue_dma source(%dma_start3A_238 : memref<1024x8xf32, #tpu.memory_space<vmem_shared>>) target(%arg15 : memref<1024x8xf32, #tpu.memory_space<vmem>>) target_semaphore(%run_scoped3A : memref<!tpu.dma_semaphore, #tpu.memory_space<semaphore_mem>>)
          %dma_wait3A_239 = arith.constant 0 : i32
          %dma_wait3A_240 = tpu.memref_slice %arg17[%add3A_132, %dma_wait3A_239] : memref<131328x8xf32, #tpu.memory_space<vmem_shared>> -> memref<1024x8xf32, #tpu.memory_space<vmem_shared>>
          %dma_wait3A_241 = arith.constant 0 : i32
          %dma_wait3A_242 = tpu.memref_slice %arg17[%add3A_132, %dma_wait3A_241] : memref<131328x8xf32, #tpu.memory_space<vmem_shared>> -> memref<1024x8xf32, #tpu.memory_space<vmem_shared>>
          tpu.wait_dma2 semaphore(%run_scoped3A : memref<!tpu.dma_semaphore, #tpu.memory_space<semaphore_mem>>) src(%dma_wait3A_242 : memref<1024x8xf32, #tpu.memory_space<vmem_shared>>) dst(%arg15 : memref<1024x8xf32, #tpu.memory_space<vmem>>)
          tpu.yield
        }) : () -> ()
        %mul3A_133 = arith.constant 131072 : i32
        %mul3A_134 = arith.muli %add3A_79, %mul3A_133 : i32
        %mul3A_135 = arith.constant 8192 : i32
        %mul3A_136 = arith.muli %arg1, %mul3A_135 : i32
        %add3A_137 = arith.addi %mul3A_134, %mul3A_136 : i32
        %mul3A_138 = arith.constant 1024 : i32
        %mul3A_139 = arith.muli %scan3A_127, %mul3A_138 : i32
        %add3A_140 = arith.addi %add3A_137, %mul3A_139 : i32
        %jit3A = arith.constant 2048 : i32
        %div3A = arith.divsi %add3A_140, %jit3A : i32
        %sign3A = arith.constant 0 : i32
        %sign3A_141 = arith.cmpi sgt, %add3A_140, %sign3A : i32
        %sign3A_142 = arith.extui %sign3A_141 : i1 to i32
        %sign3A_143 = arith.constant 0 : i32
        %sign3A_144 = arith.cmpi slt, %add3A_140, %sign3A_143 : i32
        %sign3A_145 = arith.extui %sign3A_144 : i1 to i32
        %sign3A_146 = arith.subi %sign3A_142, %sign3A_145 : i32
        %sign3A_147 = arith.constant 0 : i32
        %sign3A_148 = arith.cmpi sgt, %jit3A, %sign3A_147 : i32
        %sign3A_149 = arith.extui %sign3A_148 : i1 to i32
        %sign3A_150 = arith.constant 0 : i32
        %sign3A_151 = arith.cmpi slt, %jit3A, %sign3A_150 : i32
        %sign3A_152 = arith.extui %sign3A_151 : i1 to i32
        %sign3A_153 = arith.subi %sign3A_149, %sign3A_152 : i32
        %ne3A = arith.cmpi ne, %sign3A_146, %sign3A_153 : i32
        %rem3A = arith.remsi %add3A_140, %jit3A : i32
        %ne3A_154 = arith.constant 0 : i32
        %ne3A_155 = arith.cmpi ne, %rem3A, %ne3A_154 : i32
        %and3A = arith.andi %ne3A, %ne3A_155 : i1
        %sub3A_156 = arith.constant 1 : i32
        %sub3A_157 = arith.subi %div3A, %sub3A_156 : i32
        %select_n3A = arith.select %and3A, %sub3A_157, %div3A : i32
        %mul3A_158 = arith.constant 128 : i32
        %mul3A_159 = arith.muli %select_n3A, %mul3A_158 : i32
        %jit3A_160 = arith.constant 2 : i32
        %eq3A = arith.constant 0 : i32
        %eq3A_161 = arith.cmpi eq, %jit3A_160, %eq3A : i32
        %jit3A_162 = arith.constant 1 : i32
        %select_n3A_163 = arith.select %eq3A_161, %jit3A_162, %jit3A_160 : i32
        %rem3A_164 = arith.remsi %scan3A_127, %select_n3A_163 : i32
        %ne3A_165 = arith.constant 0 : i32
        %ne3A_166 = arith.cmpi ne, %rem3A_164, %ne3A_165 : i32
        %lt3A = arith.constant 0 : i32
        %lt3A_167 = arith.cmpi slt, %rem3A_164, %lt3A : i32
        %lt3A_168 = arith.constant 0 : i32
        %lt3A_169 = arith.cmpi slt, %select_n3A_163, %lt3A_168 : i32
        %ne3A_170 = arith.xori %lt3A_167, %lt3A_169 : i1
        %and3A_171 = arith.andi %ne3A_170, %ne3A_166 : i1
        %add3A_172 = arith.addi %rem3A_164, %select_n3A_163 : i32
        %select_n3A_173 = arith.select %and3A_171, %add3A_172, %rem3A_164 : i32
        %mul3A_174 = arith.constant 64 : i32
        %mul3A_175 = arith.muli %select_n3A_173, %mul3A_174 : i32
        %add3A_176 = arith.addi %mul3A_159, %mul3A_175 : i32
        %scan3A_177 = arith.constant 0 : i32
        %scan3A_178 = arith.constant 0 : i32
        %scan3A_179 = arith.constant 32 : i32
        %scan3A_180 = arith.addi %scan3A_178, %scan3A_179 : i32
        %scan3A_181 = arith.constant 1 : i32
        scf.for %scan3A_235 = %scan3A_178 to %scan3A_180 step %scan3A_181  : i32 {
          %add3A_236 = arith.constant 0 : i32
          %add3A_237 = arith.addi %add3A_236, %scan3A_235 : i32
          %jit3A_238 = arith.constant 8 : i32
          %div3A_239 = arith.divsi %add3A_237, %jit3A_238 : i32
          %sign3A_240 = arith.constant 0 : i32
          %sign3A_241 = arith.cmpi sgt, %add3A_237, %sign3A_240 : i32
          %sign3A_242 = arith.extui %sign3A_241 : i1 to i32
          %sign3A_243 = arith.constant 0 : i32
          %sign3A_244 = arith.cmpi slt, %add3A_237, %sign3A_243 : i32
          %sign3A_245 = arith.extui %sign3A_244 : i1 to i32
          %sign3A_246 = arith.subi %sign3A_242, %sign3A_245 : i32
          %sign3A_247 = arith.constant 0 : i32
          %sign3A_248 = arith.cmpi sgt, %jit3A_238, %sign3A_247 : i32
          %sign3A_249 = arith.extui %sign3A_248 : i1 to i32
          %sign3A_250 = arith.constant 0 : i32
          %sign3A_251 = arith.cmpi slt, %jit3A_238, %sign3A_250 : i32
          %sign3A_252 = arith.extui %sign3A_251 : i1 to i32
          %sign3A_253 = arith.subi %sign3A_249, %sign3A_252 : i32
          %ne3A_254 = arith.cmpi ne, %sign3A_246, %sign3A_253 : i32
          %rem3A_255 = arith.remsi %add3A_237, %jit3A_238 : i32
          %ne3A_256 = arith.constant 0 : i32
          %ne3A_257 = arith.cmpi ne, %rem3A_255, %ne3A_256 : i32
          %and3A_258 = arith.andi %ne3A_254, %ne3A_257 : i1
          %sub3A_259 = arith.constant 1 : i32
          %sub3A_260 = arith.subi %div3A_239, %sub3A_259 : i32
          %select_n3A_261 = arith.select %and3A_258, %sub3A_260, %div3A_239 : i32
          %jit3A_262 = arith.constant 8 : i32
          %eq3A_263 = arith.constant 0 : i32
          %eq3A_264 = arith.cmpi eq, %jit3A_262, %eq3A_263 : i32
          %jit3A_265 = arith.constant 1 : i32
          %select_n3A_266 = arith.select %eq3A_264, %jit3A_265, %jit3A_262 : i32
          %rem3A_267 = arith.remsi %add3A_237, %select_n3A_266 : i32
          %ne3A_268 = arith.constant 0 : i32
          %ne3A_269 = arith.cmpi ne, %rem3A_267, %ne3A_268 : i32
          %lt3A_270 = arith.constant 0 : i32
          %lt3A_271 = arith.cmpi slt, %rem3A_267, %lt3A_270 : i32
          %lt3A_272 = arith.constant 0 : i32
          %lt3A_273 = arith.cmpi slt, %select_n3A_266, %lt3A_272 : i32
          %ne3A_274 = arith.xori %lt3A_271, %lt3A_273 : i1
          %and3A_275 = arith.andi %ne3A_274, %ne3A_269 : i1
          %add3A_276 = arith.addi %rem3A_267, %select_n3A_266 : i32
          %select_n3A_277 = arith.select %and3A_275, %add3A_276, %rem3A_267 : i32
          %broadcast_in_dim3A_278 = vector.broadcast %select_n3A_277 : i32 to vector<16xi32>
          %mul3A_279 = arith.constant 128 : i32
          %mul3A_280 = arith.muli %select_n3A_261, %mul3A_279 : i32
          %add3A_281 = arith.constant 0 : i32
          %add3A_282 = arith.addi %mul3A_280, %add3A_281 : i32
          %broadcast_in_dim3A_283 = vector.broadcast %add3A_282 : i32 to vector<16xi32>
          %add3A_284 = arith.addi %broadcast_in_dim3A_283, %iota3A : vector<16xi32>
          %gather3A_285 = tpu.vector_load_idx %arg15[%add3A_284, %broadcast_in_dim3A_278] : memref<1024x8xf32, #tpu.memory_space<vmem>>[vector<16xi32>, vector<16xi32>], vector<16xf32>,
          %swap3A_286 = arith.index_cast %add3A_237 : i32 to index
          %swap3A_287 = arith.constant 0 : index
          %swap3A_288 = tpu.vector_load %arg16[%swap3A_286, %swap3A_287] {strides = array<i32>} : memref<64x128xf32, #tpu.memory_space<vmem>>, vector<16xf32>,
          tpu.vector_store %arg16[%swap3A_286, %swap3A_287], %gather3A_285 {strides = array<i32>} : memref<64x128xf32, #tpu.memory_space<vmem>>, vector<16xf32>,
          %mul3A_289 = arith.constant 128 : i32
          %mul3A_290 = arith.muli %select_n3A_261, %mul3A_289 : i32
          %add3A_291 = arith.constant 16 : i32
          %add3A_292 = arith.addi %mul3A_290, %add3A_291 : i32
          %broadcast_in_dim3A_293 = vector.broadcast %add3A_292 : i32 to vector<16xi32>
          %add3A_294 = arith.addi %broadcast_in_dim3A_293, %iota3A : vector<16xi32>
          %gather3A_295 = tpu.vector_load_idx %arg15[%add3A_294, %broadcast_in_dim3A_278] : memref<1024x8xf32, #tpu.memory_space<vmem>>[vector<16xi32>, vector<16xi32>], vector<16xf32>,
          %swap3A_296 = arith.index_cast %add3A_237 : i32 to index
          %swap3A_297 = arith.constant 16 : index
          %swap3A_298 = tpu.vector_load %arg16[%swap3A_296, %swap3A_297] {strides = array<i32>} : memref<64x128xf32, #tpu.memory_space<vmem>>, vector<16xf32>,
          tpu.vector_store %arg16[%swap3A_296, %swap3A_297], %gather3A_295 {strides = array<i32>} : memref<64x128xf32, #tpu.memory_space<vmem>>, vector<16xf32>,
          %mul3A_299 = arith.constant 128 : i32
          %mul3A_300 = arith.muli %select_n3A_261, %mul3A_299 : i32
          %add3A_301 = arith.constant 32 : i32
          %add3A_302 = arith.addi %mul3A_300, %add3A_301 : i32
          %broadcast_in_dim3A_303 = vector.broadcast %add3A_302 : i32 to vector<16xi32>
          %add3A_304 = arith.addi %broadcast_in_dim3A_303, %iota3A : vector<16xi32>
          %gather3A_305 = tpu.vector_load_idx %arg15[%add3A_304, %broadcast_in_dim3A_278] : memref<1024x8xf32, #tpu.memory_space<vmem>>[vector<16xi32>, vector<16xi32>], vector<16xf32>,
          %swap3A_306 = arith.index_cast %add3A_237 : i32 to index
          %swap3A_307 = arith.constant 32 : index
          %swap3A_308 = tpu.vector_load %arg16[%swap3A_306, %swap3A_307] {strides = array<i32>} : memref<64x128xf32, #tpu.memory_space<vmem>>, vector<16xf32>,
          tpu.vector_store %arg16[%swap3A_306, %swap3A_307], %gather3A_305 {strides = array<i32>} : memref<64x128xf32, #tpu.memory_space<vmem>>, vector<16xf32>,
          %mul3A_309 = arith.constant 128 : i32
          %mul3A_310 = arith.muli %select_n3A_261, %mul3A_309 : i32
          %add3A_311 = arith.constant 48 : i32
          %add3A_312 = arith.addi %mul3A_310, %add3A_311 : i32
          %broadcast_in_dim3A_313 = vector.broadcast %add3A_312 : i32 to vector<16xi32>
          %add3A_314 = arith.addi %broadcast_in_dim3A_313, %iota3A : vector<16xi32>
          %gather3A_315 = tpu.vector_load_idx %arg15[%add3A_314, %broadcast_in_dim3A_278] : memref<1024x8xf32, #tpu.memory_space<vmem>>[vector<16xi32>, vector<16xi32>], vector<16xf32>,
          %swap3A_316 = arith.index_cast %add3A_237 : i32 to index
          %swap3A_317 = arith.constant 48 : index
          %swap3A_318 = tpu.vector_load %arg16[%swap3A_316, %swap3A_317] {strides = array<i32>} : memref<64x128xf32, #tpu.memory_space<vmem>>, vector<16xf32>,
          tpu.vector_store %arg16[%swap3A_316, %swap3A_317], %gather3A_315 {strides = array<i32>} : memref<64x128xf32, #tpu.memory_space<vmem>>, vector<16xf32>,
          %mul3A_319 = arith.constant 128 : i32
          %mul3A_320 = arith.muli %select_n3A_261, %mul3A_319 : i32
          %add3A_321 = arith.constant 64 : i32
          %add3A_322 = arith.addi %mul3A_320, %add3A_321 : i32
          %broadcast_in_dim3A_323 = vector.broadcast %add3A_322 : i32 to vector<16xi32>
          %add3A_324 = arith.addi %broadcast_in_dim3A_323, %iota3A : vector<16xi32>
          %gather3A_325 = tpu.vector_load_idx %arg15[%add3A_324, %broadcast_in_dim3A_278] : memref<1024x8xf32, #tpu.memory_space<vmem>>[vector<16xi32>, vector<16xi32>], vector<16xf32>,
          %swap3A_326 = arith.index_cast %add3A_237 : i32 to index
          %swap3A_327 = arith.constant 64 : index
          %swap3A_328 = tpu.vector_load %arg16[%swap3A_326, %swap3A_327] {strides = array<i32>} : memref<64x128xf32, #tpu.memory_space<vmem>>, vector<16xf32>,
          tpu.vector_store %arg16[%swap3A_326, %swap3A_327], %gather3A_325 {strides = array<i32>} : memref<64x128xf32, #tpu.memory_space<vmem>>, vector<16xf32>,
          %mul3A_329 = arith.constant 128 : i32
          %mul3A_330 = arith.muli %select_n3A_261, %mul3A_329 : i32
          %add3A_331 = arith.constant 80 : i32
          %add3A_332 = arith.addi %mul3A_330, %add3A_331 : i32
          %broadcast_in_dim3A_333 = vector.broadcast %add3A_332 : i32 to vector<16xi32>
          %add3A_334 = arith.addi %broadcast_in_dim3A_333, %iota3A : vector<16xi32>
          %gather3A_335 = tpu.vector_load_idx %arg15[%add3A_334, %broadcast_in_dim3A_278] : memref<1024x8xf32, #tpu.memory_space<vmem>>[vector<16xi32>, vector<16xi32>], vector<16xf32>,
          %swap3A_336 = arith.index_cast %add3A_237 : i32 to index
          %swap3A_337 = arith.constant 80 : index
          %swap3A_338 = tpu.vector_load %arg16[%swap3A_336, %swap3A_337] {strides = array<i32>} : memref<64x128xf32, #tpu.memory_space<vmem>>, vector<16xf32>,
          tpu.vector_store %arg16[%swap3A_336, %swap3A_337], %gather3A_335 {strides = array<i32>} : memref<64x128xf32, #tpu.memory_space<vmem>>, vector<16xf32>,
          %mul3A_339 = arith.constant 128 : i32
          %mul3A_340 = arith.muli %select_n3A_261, %mul3A_339 : i32
          %add3A_341 = arith.constant 96 : i32
          %add3A_342 = arith.addi %mul3A_340, %add3A_341 : i32
          %broadcast_in_dim3A_343 = vector.broadcast %add3A_342 : i32 to vector<16xi32>
          %add3A_344 = arith.addi %broadcast_in_dim3A_343, %iota3A : vector<16xi32>
          %gather3A_345 = tpu.vector_load_idx %arg15[%add3A_344, %broadcast_in_dim3A_278] : memref<1024x8xf32, #tpu.memory_space<vmem>>[vector<16xi32>, vector<16xi32>], vector<16xf32>,
          %swap3A_346 = arith.index_cast %add3A_237 : i32 to index
          %swap3A_347 = arith.constant 96 : index
          %swap3A_348 = tpu.vector_load %arg16[%swap3A_346, %swap3A_347] {strides = array<i32>} : memref<64x128xf32, #tpu.memory_space<vmem>>, vector<16xf32>,
          tpu.vector_store %arg16[%swap3A_346, %swap3A_347], %gather3A_345 {strides = array<i32>} : memref<64x128xf32, #tpu.memory_space<vmem>>, vector<16xf32>,
          %mul3A_349 = arith.constant 128 : i32
          %mul3A_350 = arith.muli %select_n3A_261, %mul3A_349 : i32
          %add3A_351 = arith.constant 112 : i32
          %add3A_352 = arith.addi %mul3A_350, %add3A_351 : i32
          %broadcast_in_dim3A_353 = vector.broadcast %add3A_352 : i32 to vector<16xi32>
          %add3A_354 = arith.addi %broadcast_in_dim3A_353, %iota3A : vector<16xi32>
          %gather3A_355 = tpu.vector_load_idx %arg15[%add3A_354, %broadcast_in_dim3A_278] : memref<1024x8xf32, #tpu.memory_space<vmem>>[vector<16xi32>, vector<16xi32>], vector<16xf32>,
          %swap3A_356 = arith.index_cast %add3A_237 : i32 to index
          %swap3A_357 = arith.constant 112 : index
          %swap3A_358 = tpu.vector_load %arg16[%swap3A_356, %swap3A_357] {strides = array<i32>} : memref<64x128xf32, #tpu.memory_space<vmem>>, vector<16xf32>,
          tpu.vector_store %arg16[%swap3A_356, %swap3A_357], %gather3A_355 {strides = array<i32>} : memref<64x128xf32, #tpu.memory_space<vmem>>, vector<16xf32>,
        }
        %scan3A_182 = arith.constant 32 : i32
        %add3A_183 = arith.constant 0 : i32
        %add3A_184 = arith.addi %add3A_176, %add3A_183 : i32
        %dma_start3A = arith.constant 0 : i32
        %dma_start3A_185 = arith.constant 0 : i32
        %dma_start3A_186 = tpu.memref_slice %arg16[%dma_start3A, %dma_start3A_185] : memref<64x128xf32, #tpu.memory_space<vmem>> -> memref<32x128xf32, #tpu.memory_space<vmem>>
        %dma_start3A_187 = arith.constant 0 : i32
        %dma_start3A_188 = tpu.memref_slice %arg5[%add3A_184, %dma_start3A_187] : memref<262144x128xf32, #tpu.memory_space<hbm>> -> memref<32x128xf32, #tpu.memory_space<hbm>>
        %dma_start3A_189 = arith.constant 0 : i32
        %dma_start3A_190 = tpu.memref_slice %arg5[%add3A_184, %dma_start3A_189] : memref<262144x128xf32, #tpu.memory_space<hbm>> -> memref<32x128xf32, #tpu.memory_space<hbm>>
        %dma_start3A_191 = arith.constant 0 : i32
        %dma_start3A_192 = arith.constant 0 : i32
        %dma_start3A_193 = tpu.memref_slice %arg16[%dma_start3A_191, %dma_start3A_192] : memref<64x128xf32, #tpu.memory_space<vmem>> -> memref<32x128xf32, #tpu.memory_space<vmem>>
        tpu.enqueue_dma source(%dma_start3A_193 : memref<32x128xf32, #tpu.memory_space<vmem>>) target(%dma_start3A_190 : memref<32x128xf32, #tpu.memory_space<hbm>>) target_semaphore(%arg21 : memref<!tpu.dma_semaphore, #tpu.memory_space<semaphore_mem>>)
        %scan3A_194 = arith.constant 0 : i32
        %scan3A_195 = arith.constant 0 : i32
        %scan3A_196 = arith.constant 32 : i32
        %scan3A_197 = arith.addi %scan3A_195, %scan3A_196 : i32
        %scan3A_198 = arith.constant 1 : i32
        scf.for %scan3A_235 = %scan3A_195 to %scan3A_197 step %scan3A_198  : i32 {
          %add3A_236 = arith.constant 32 : i32
          %add3A_237 = arith.addi %add3A_236, %scan3A_235 : i32
          %jit3A_238 = arith.constant 8 : i32
          %div3A_239 = arith.divsi %add3A_237, %jit3A_238 : i32
          %sign3A_240 = arith.constant 0 : i32
          %sign3A_241 = arith.cmpi sgt, %add3A_237, %sign3A_240 : i32
          %sign3A_242 = arith.extui %sign3A_241 : i1 to i32
          %sign3A_243 = arith.constant 0 : i32
          %sign3A_244 = arith.cmpi slt, %add3A_237, %sign3A_243 : i32
          %sign3A_245 = arith.extui %sign3A_244 : i1 to i32
          %sign3A_246 = arith.subi %sign3A_242, %sign3A_245 : i32
          %sign3A_247 = arith.constant 0 : i32
          %sign3A_248 = arith.cmpi sgt, %jit3A_238, %sign3A_247 : i32
          %sign3A_249 = arith.extui %sign3A_248 : i1 to i32
          %sign3A_250 = arith.constant 0 : i32
          %sign3A_251 = arith.cmpi slt, %jit3A_238, %sign3A_250 : i32
          %sign3A_252 = arith.extui %sign3A_251 : i1 to i32
          %sign3A_253 = arith.subi %sign3A_249, %sign3A_252 : i32
          %ne3A_254 = arith.cmpi ne, %sign3A_246, %sign3A_253 : i32
          %rem3A_255 = arith.remsi %add3A_237, %jit3A_238 : i32
          %ne3A_256 = arith.constant 0 : i32
          %ne3A_257 = arith.cmpi ne, %rem3A_255, %ne3A_256 : i32
          %and3A_258 = arith.andi %ne3A_254, %ne3A_257 : i1
          %sub3A_259 = arith.constant 1 : i32
          %sub3A_260 = arith.subi %div3A_239, %sub3A_259 : i32
          %select_n3A_261 = arith.select %and3A_258, %sub3A_260, %div3A_239 : i32
          %jit3A_262 = arith.constant 8 : i32
          %eq3A_263 = arith.constant 0 : i32
          %eq3A_264 = arith.cmpi eq, %jit3A_262, %eq3A_263 : i32
          %jit3A_265 = arith.constant 1 : i32
          %select_n3A_266 = arith.select %eq3A_264, %jit3A_265, %jit3A_262 : i32
          %rem3A_267 = arith.remsi %add3A_237, %select_n3A_266 : i32
          %ne3A_268 = arith.constant 0 : i32
          %ne3A_269 = arith.cmpi ne, %rem3A_267, %ne3A_268 : i32
          %lt3A_270 = arith.constant 0 : i32
          %lt3A_271 = arith.cmpi slt, %rem3A_267, %lt3A_270 : i32
          %lt3A_272 = arith.constant 0 : i32
          %lt3A_273 = arith.cmpi slt, %select_n3A_266, %lt3A_272 : i32
          %ne3A_274 = arith.xori %lt3A_271, %lt3A_273 : i1
          %and3A_275 = arith.andi %ne3A_274, %ne3A_269 : i1
          %add3A_276 = arith.addi %rem3A_267, %select_n3A_266 : i32
          %select_n3A_277 = arith.select %and3A_275, %add3A_276, %rem3A_267 : i32
          %broadcast_in_dim3A_278 = vector.broadcast %select_n3A_277 : i32 to vector<16xi32>
          %mul3A_279 = arith.constant 128 : i32
          %mul3A_280 = arith.muli %select_n3A_261, %mul3A_279 : i32
          %add3A_281 = arith.constant 0 : i32
          %add3A_282 = arith.addi %mul3A_280, %add3A_281 : i32
          %broadcast_in_dim3A_283 = vector.broadcast %add3A_282 : i32 to vector<16xi32>
          %add3A_284 = arith.addi %broadcast_in_dim3A_283, %iota3A : vector<16xi32>
          %gather3A_285 = tpu.vector_load_idx %arg15[%add3A_284, %broadcast_in_dim3A_278] : memref<1024x8xf32, #tpu.memory_space<vmem>>[vector<16xi32>, vector<16xi32>], vector<16xf32>,
          %swap3A_286 = arith.index_cast %add3A_237 : i32 to index
          %swap3A_287 = arith.constant 0 : index
          %swap3A_288 = tpu.vector_load %arg16[%swap3A_286, %swap3A_287] {strides = array<i32>} : memref<64x128xf32, #tpu.memory_space<vmem>>, vector<16xf32>,
          tpu.vector_store %arg16[%swap3A_286, %swap3A_287], %gather3A_285 {strides = array<i32>} : memref<64x128xf32, #tpu.memory_space<vmem>>, vector<16xf32>,
          %mul3A_289 = arith.constant 128 : i32
          %mul3A_290 = arith.muli %select_n3A_261, %mul3A_289 : i32
          %add3A_291 = arith.constant 16 : i32
          %add3A_292 = arith.addi %mul3A_290, %add3A_291 : i32
          %broadcast_in_dim3A_293 = vector.broadcast %add3A_292 : i32 to vector<16xi32>
          %add3A_294 = arith.addi %broadcast_in_dim3A_293, %iota3A : vector<16xi32>
          %gather3A_295 = tpu.vector_load_idx %arg15[%add3A_294, %broadcast_in_dim3A_278] : memref<1024x8xf32, #tpu.memory_space<vmem>>[vector<16xi32>, vector<16xi32>], vector<16xf32>,
          %swap3A_296 = arith.index_cast %add3A_237 : i32 to index
          %swap3A_297 = arith.constant 16 : index
          %swap3A_298 = tpu.vector_load %arg16[%swap3A_296, %swap3A_297] {strides = array<i32>} : memref<64x128xf32, #tpu.memory_space<vmem>>, vector<16xf32>,
          tpu.vector_store %arg16[%swap3A_296, %swap3A_297], %gather3A_295 {strides = array<i32>} : memref<64x128xf32, #tpu.memory_space<vmem>>, vector<16xf32>,
          %mul3A_299 = arith.constant 128 : i32
          %mul3A_300 = arith.muli %select_n3A_261, %mul3A_299 : i32
          %add3A_301 = arith.constant 32 : i32
          %add3A_302 = arith.addi %mul3A_300, %add3A_301 : i32
          %broadcast_in_dim3A_303 = vector.broadcast %add3A_302 : i32 to vector<16xi32>
          %add3A_304 = arith.addi %broadcast_in_dim3A_303, %iota3A : vector<16xi32>
          %gather3A_305 = tpu.vector_load_idx %arg15[%add3A_304, %broadcast_in_dim3A_278] : memref<1024x8xf32, #tpu.memory_space<vmem>>[vector<16xi32>, vector<16xi32>], vector<16xf32>,
          %swap3A_306 = arith.index_cast %add3A_237 : i32 to index
          %swap3A_307 = arith.constant 32 : index
          %swap3A_308 = tpu.vector_load %arg16[%swap3A_306, %swap3A_307] {strides = array<i32>} : memref<64x128xf32, #tpu.memory_space<vmem>>, vector<16xf32>,
          tpu.vector_store %arg16[%swap3A_306, %swap3A_307], %gather3A_305 {strides = array<i32>} : memref<64x128xf32, #tpu.memory_space<vmem>>, vector<16xf32>,
          %mul3A_309 = arith.constant 128 : i32
          %mul3A_310 = arith.muli %select_n3A_261, %mul3A_309 : i32
          %add3A_311 = arith.constant 48 : i32
          %add3A_312 = arith.addi %mul3A_310, %add3A_311 : i32
          %broadcast_in_dim3A_313 = vector.broadcast %add3A_312 : i32 to vector<16xi32>
          %add3A_314 = arith.addi %broadcast_in_dim3A_313, %iota3A : vector<16xi32>
          %gather3A_315 = tpu.vector_load_idx %arg15[%add3A_314, %broadcast_in_dim3A_278] : memref<1024x8xf32, #tpu.memory_space<vmem>>[vector<16xi32>, vector<16xi32>], vector<16xf32>,
          %swap3A_316 = arith.index_cast %add3A_237 : i32 to index
          %swap3A_317 = arith.constant 48 : index
          %swap3A_318 = tpu.vector_load %arg16[%swap3A_316, %swap3A_317] {strides = array<i32>} : memref<64x128xf32, #tpu.memory_space<vmem>>, vector<16xf32>,
          tpu.vector_store %arg16[%swap3A_316, %swap3A_317], %gather3A_315 {strides = array<i32>} : memref<64x128xf32, #tpu.memory_space<vmem>>, vector<16xf32>,
          %mul3A_319 = arith.constant 128 : i32
          %mul3A_320 = arith.muli %select_n3A_261, %mul3A_319 : i32
          %add3A_321 = arith.constant 64 : i32
          %add3A_322 = arith.addi %mul3A_320, %add3A_321 : i32
          %broadcast_in_dim3A_323 = vector.broadcast %add3A_322 : i32 to vector<16xi32>
          %add3A_324 = arith.addi %broadcast_in_dim3A_323, %iota3A : vector<16xi32>
          %gather3A_325 = tpu.vector_load_idx %arg15[%add3A_324, %broadcast_in_dim3A_278] : memref<1024x8xf32, #tpu.memory_space<vmem>>[vector<16xi32>, vector<16xi32>], vector<16xf32>,
          %swap3A_326 = arith.index_cast %add3A_237 : i32 to index
          %swap3A_327 = arith.constant 64 : index
          %swap3A_328 = tpu.vector_load %arg16[%swap3A_326, %swap3A_327] {strides = array<i32>} : memref<64x128xf32, #tpu.memory_space<vmem>>, vector<16xf32>,
          tpu.vector_store %arg16[%swap3A_326, %swap3A_327], %gather3A_325 {strides = array<i32>} : memref<64x128xf32, #tpu.memory_space<vmem>>, vector<16xf32>,
          %mul3A_329 = arith.constant 128 : i32
          %mul3A_330 = arith.muli %select_n3A_261, %mul3A_329 : i32
          %add3A_331 = arith.constant 80 : i32
          %add3A_332 = arith.addi %mul3A_330, %add3A_331 : i32
          %broadcast_in_dim3A_333 = vector.broadcast %add3A_332 : i32 to vector<16xi32>
          %add3A_334 = arith.addi %broadcast_in_dim3A_333, %iota3A : vector<16xi32>
          %gather3A_335 = tpu.vector_load_idx %arg15[%add3A_334, %broadcast_in_dim3A_278] : memref<1024x8xf32, #tpu.memory_space<vmem>>[vector<16xi32>, vector<16xi32>], vector<16xf32>,
          %swap3A_336 = arith.index_cast %add3A_237 : i32 to index
          %swap3A_337 = arith.constant 80 : index
          %swap3A_338 = tpu.vector_load %arg16[%swap3A_336, %swap3A_337] {strides = array<i32>} : memref<64x128xf32, #tpu.memory_space<vmem>>, vector<16xf32>,
          tpu.vector_store %arg16[%swap3A_336, %swap3A_337], %gather3A_335 {strides = array<i32>} : memref<64x128xf32, #tpu.memory_space<vmem>>, vector<16xf32>,
          %mul3A_339 = arith.constant 128 : i32
          %mul3A_340 = arith.muli %select_n3A_261, %mul3A_339 : i32
          %add3A_341 = arith.constant 96 : i32
          %add3A_342 = arith.addi %mul3A_340, %add3A_341 : i32
          %broadcast_in_dim3A_343 = vector.broadcast %add3A_342 : i32 to vector<16xi32>
          %add3A_344 = arith.addi %broadcast_in_dim3A_343, %iota3A : vector<16xi32>
          %gather3A_345 = tpu.vector_load_idx %arg15[%add3A_344, %broadcast_in_dim3A_278] : memref<1024x8xf32, #tpu.memory_space<vmem>>[vector<16xi32>, vector<16xi32>], vector<16xf32>,
          %swap3A_346 = arith.index_cast %add3A_237 : i32 to index
          %swap3A_347 = arith.constant 96 : index
          %swap3A_348 = tpu.vector_load %arg16[%swap3A_346, %swap3A_347] {strides = array<i32>} : memref<64x128xf32, #tpu.memory_space<vmem>>, vector<16xf32>,
          tpu.vector_store %arg16[%swap3A_346, %swap3A_347], %gather3A_345 {strides = array<i32>} : memref<64x128xf32, #tpu.memory_space<vmem>>, vector<16xf32>,
          %mul3A_349 = arith.constant 128 : i32
          %mul3A_350 = arith.muli %select_n3A_261, %mul3A_349 : i32
          %add3A_351 = arith.constant 112 : i32
          %add3A_352 = arith.addi %mul3A_350, %add3A_351 : i32
          %broadcast_in_dim3A_353 = vector.broadcast %add3A_352 : i32 to vector<16xi32>
          %add3A_354 = arith.addi %broadcast_in_dim3A_353, %iota3A : vector<16xi32>
          %gather3A_355 = tpu.vector_load_idx %arg15[%add3A_354, %broadcast_in_dim3A_278] : memref<1024x8xf32, #tpu.memory_space<vmem>>[vector<16xi32>, vector<16xi32>], vector<16xf32>,
          %swap3A_356 = arith.index_cast %add3A_237 : i32 to index
          %swap3A_357 = arith.constant 112 : index
          %swap3A_358 = tpu.vector_load %arg16[%swap3A_356, %swap3A_357] {strides = array<i32>} : memref<64x128xf32, #tpu.memory_space<vmem>>, vector<16xf32>,
          tpu.vector_store %arg16[%swap3A_356, %swap3A_357], %gather3A_355 {strides = array<i32>} : memref<64x128xf32, #tpu.memory_space<vmem>>, vector<16xf32>,
        }
        %scan3A_199 = arith.constant 32 : i32
        %add3A_200 = arith.constant 32 : i32
        %add3A_201 = arith.addi %add3A_176, %add3A_200 : i32
        %dma_start3A_202 = arith.constant 32 : i32
        %dma_start3A_203 = arith.constant 0 : i32
        %dma_start3A_204 = tpu.memref_slice %arg16[%dma_start3A_202, %dma_start3A_203] : memref<64x128xf32, #tpu.memory_space<vmem>> -> memref<32x128xf32, #tpu.memory_space<vmem>>
        %dma_start3A_205 = arith.constant 0 : i32
        %dma_start3A_206 = tpu.memref_slice %arg5[%add3A_201, %dma_start3A_205] : memref<262144x128xf32, #tpu.memory_space<hbm>> -> memref<32x128xf32, #tpu.memory_space<hbm>>
        %dma_start3A_207 = arith.constant 0 : i32
        %dma_start3A_208 = tpu.memref_slice %arg5[%add3A_201, %dma_start3A_207] : memref<262144x128xf32, #tpu.memory_space<hbm>> -> memref<32x128xf32, #tpu.memory_space<hbm>>
        %dma_start3A_209 = arith.constant 32 : i32
        %dma_start3A_210 = arith.constant 0 : i32
        %dma_start3A_211 = tpu.memref_slice %arg16[%dma_start3A_209, %dma_start3A_210] : memref<64x128xf32, #tpu.memory_space<vmem>> -> memref<32x128xf32, #tpu.memory_space<vmem>>
        tpu.enqueue_dma source(%dma_start3A_211 : memref<32x128xf32, #tpu.memory_space<vmem>>) target(%dma_start3A_208 : memref<32x128xf32, #tpu.memory_space<hbm>>) target_semaphore(%arg21 : memref<!tpu.dma_semaphore, #tpu.memory_space<semaphore_mem>>)
        %add3A_212 = arith.constant 0 : i32
        %add3A_213 = arith.addi %add3A_176, %add3A_212 : i32
        %dma_wait3A = arith.constant 0 : i32
        %dma_wait3A_214 = arith.constant 0 : i32
        %dma_wait3A_215 = tpu.memref_slice %arg16[%dma_wait3A, %dma_wait3A_214] : memref<64x128xf32, #tpu.memory_space<vmem>> -> memref<32x128xf32, #tpu.memory_space<vmem>>
        %dma_wait3A_216 = arith.constant 0 : i32
        %dma_wait3A_217 = tpu.memref_slice %arg5[%add3A_213, %dma_wait3A_216] : memref<262144x128xf32, #tpu.memory_space<hbm>> -> memref<32x128xf32, #tpu.memory_space<hbm>>
        %dma_wait3A_218 = arith.constant 0 : i32
        %dma_wait3A_219 = tpu.memref_slice %arg5[%add3A_213, %dma_wait3A_218] : memref<262144x128xf32, #tpu.memory_space<hbm>> -> memref<32x128xf32, #tpu.memory_space<hbm>>
        %dma_wait3A_220 = arith.constant 0 : i32
        %dma_wait3A_221 = arith.constant 0 : i32
        %dma_wait3A_222 = tpu.memref_slice %arg16[%dma_wait3A_220, %dma_wait3A_221] : memref<64x128xf32, #tpu.memory_space<vmem>> -> memref<32x128xf32, #tpu.memory_space<vmem>>
        tpu.wait_dma2 semaphore(%arg21 : memref<!tpu.dma_semaphore, #tpu.memory_space<semaphore_mem>>) src(%dma_wait3A_222 : memref<32x128xf32, #tpu.memory_space<vmem>>) dst(%dma_wait3A_219 : memref<32x128xf32, #tpu.memory_space<hbm>>)
        %add3A_223 = arith.constant 32 : i32
        %add3A_224 = arith.addi %add3A_176, %add3A_223 : i32
        %dma_wait3A_225 = arith.constant 32 : i32
        %dma_wait3A_226 = arith.constant 0 : i32
        %dma_wait3A_227 = tpu.memref_slice %arg16[%dma_wait3A_225, %dma_wait3A_226] : memref<64x128xf32, #tpu.memory_space<vmem>> -> memref<32x128xf32, #tpu.memory_space<vmem>>
        %dma_wait3A_228 = arith.constant 0 : i32
        %dma_wait3A_229 = tpu.memref_slice %arg5[%add3A_224, %dma_wait3A_228] : memref<262144x128xf32, #tpu.memory_space<hbm>> -> memref<32x128xf32, #tpu.memory_space<hbm>>
        %dma_wait3A_230 = arith.constant 0 : i32
        %dma_wait3A_231 = tpu.memref_slice %arg5[%add3A_224, %dma_wait3A_230] : memref<262144x128xf32, #tpu.memory_space<hbm>> -> memref<32x128xf32, #tpu.memory_space<hbm>>
        %dma_wait3A_232 = arith.constant 32 : i32
        %dma_wait3A_233 = arith.constant 0 : i32
        %dma_wait3A_234 = tpu.memref_slice %arg16[%dma_wait3A_232, %dma_wait3A_233] : memref<64x128xf32, #tpu.memory_space<vmem>> -> memref<32x128xf32, #tpu.memory_space<vmem>>
        tpu.wait_dma2 semaphore(%arg21 : memref<!tpu.dma_semaphore, #tpu.memory_space<semaphore_mem>>) src(%dma_wait3A_234 : memref<32x128xf32, #tpu.memory_space<vmem>>) dst(%dma_wait3A_231 : memref<32x128xf32, #tpu.memory_space<hbm>>)
      }
      %scan3A_126 = arith.constant 8 : i32
    }
    %scan3A_75 = arith.constant 16 : i32
    return
  }
}

module attributes {stable_mosaic.version = 14 : i64} {
  func.func @_proj_body(%arg0: i32, %arg1: memref<2x8192xi32, #tpu.memory_space<vmem>>, %arg2: memref<16x8192xf32, #tpu.memory_space<vmem>>, %arg3: memref<16x8xf32, #tpu.memory_space<vmem>>, %arg4: memref<1x8xf32, #tpu.memory_space<vmem>>, %arg5: memref<8192x8xf32, #tpu.memory_space<vmem>>, %arg6: memref<8192xi32, #tpu.memory_space<vmem>>) attributes {dimension_semantics = [#tpu.dimension_semantics<arbitrary>], iteration_bounds = array<i64: 16>, scalar_prefetch = 0 : i64, scratch_operands = 0 : i64, tpu.core_type = #tpu.core_type<tc>, window_params = [{transform_indices = @transform_0, window_bounds = array<i64: 2, 8192>}, {transform_indices = @transform_1, window_bounds = array<i64: 16, 8192>}, {pipeline_mode = #tpu.pipeline_mode<synchronous>, transform_indices = @transform_2, window_bounds = array<i64: 16, 8>}, {pipeline_mode = #tpu.pipeline_mode<synchronous>, transform_indices = @transform_3, window_bounds = array<i64: 1, 8>}, {transform_indices = @transform_4, window_bounds = array<i64: 8192, 8>}, {transform_indices = @transform_5, window_bounds = array<i64: 8192>}]} {
    %get3A = arith.constant 0 : index
    %get3A_0 = arith.constant 0 : index
    %get3A_1 = vector.load %arg2[%get3A, %get3A_0] : memref<16x8192xf32, #tpu.memory_space<vmem>>, vector<16x8192xf32>
    %get3A_2 = arith.constant 0 : index
    %get3A_3 = arith.constant 0 : index
    %get3A_4 = vector.load %arg3[%get3A_2, %get3A_3] : memref<16x8xf32, #tpu.memory_space<vmem>>, vector<16x8xf32>
    %dot_general3A = arith.constant dense<0.000000e+00> : vector<8192x8xf32>
    %dot_general3A_5 = tpu.matmul %get3A_1, %get3A_4, %dot_general3A {dimension_numbers = #tpu.dot_dimension_numbers<[0], [0], [1], [1], [0, 1, 1, 1], [], []>, transpose_lhs_hint = false} : vector<16x8192xf32>, vector<16x8xf32>, vector<8192x8xf32> -> vector<8192x8xf32>
    %get3A_6 = arith.constant 0 : index
    %get3A_7 = arith.constant 0 : index
    %get3A_8 = vector.load %arg4[%get3A_6, %get3A_7] : memref<1x8xf32, #tpu.memory_space<vmem>>, vector<1x8xf32>
    %add3A = vector.broadcast %get3A_8 : vector<1x8xf32> to vector<8192x8xf32>
    %add3A_9 = arith.addf %dot_general3A_5, %add3A : vector<8192x8xf32>
    %swap3A = arith.constant 0 : index
    %swap3A_10 = arith.constant 0 : index
    %swap3A_11 = vector.load %arg5[%swap3A, %swap3A_10] : memref<8192x8xf32, #tpu.memory_space<vmem>>, vector<8192x8xf32>
    tpu.vector_store %arg5[%swap3A, %swap3A_10], %add3A_9 {strides = array<i32>} : memref<8192x8xf32, #tpu.memory_space<vmem>>, vector<8192x8xf32>,
    %get3A_12 = arith.constant 0 : index
    %get3A_13 = arith.constant 0 : index
    %get3A_14 = vector.load %arg1[%get3A_12, %get3A_13] : memref<2x8192xi32, #tpu.memory_space<vmem>>, vector<1x8192xi32>
    %get3A_15 = vector.shape_cast %get3A_14 : vector<1x8192xi32> to vector<8192xi32>
    %mul3A = arith.constant 2048 : i32
    %mul3A_16 = vector.broadcast %mul3A : i32 to vector<8192xi32>
    %mul3A_17 = arith.muli %get3A_15, %mul3A_16 : vector<8192xi32>
    %get3A_18 = arith.constant 1 : index
    %get3A_19 = arith.constant 0 : index
    %get3A_20 = vector.load %arg1[%get3A_18, %get3A_19] : memref<2x8192xi32, #tpu.memory_space<vmem>>, vector<1x8192xi32>
    %get3A_21 = vector.shape_cast %get3A_20 : vector<1x8192xi32> to vector<8192xi32>
    %add3A_22 = arith.addi %mul3A_17, %get3A_21 : vector<8192xi32>
    %swap3A_23 = arith.constant 0 : index
    %swap3A_24 = vector.load %arg6[%swap3A_23] : memref<8192xi32, #tpu.memory_space<vmem>>, vector<8192xi32>
    tpu.vector_store %arg6[%swap3A_23], %add3A_22 {strides = array<i32>} : memref<8192xi32, #tpu.memory_space<vmem>>, vector<8192xi32>,
    return
  }
  func.func @transform_0(%arg0: i32) -> (i32, i32) {
    %c0_i32 = arith.constant 0 : i32
    %c0_i32_0 = arith.constant 0 : i32
    return %c0_i32, %arg0 : i32, i32
  }
  func.func @transform_1(%arg0: i32) -> (i32, i32) {
    %c0_i32 = arith.constant 0 : i32
    %c0_i32_0 = arith.constant 0 : i32
    return %c0_i32, %arg0 : i32, i32
  }
  func.func @transform_2(%arg0: i32) -> (i32, i32) {
    %c0_i32 = arith.constant 0 : i32
    %c0_i32_0 = arith.constant 0 : i32
    %c0_i32_1 = arith.constant 0 : i32
    return %c0_i32, %c0_i32_0 : i32, i32
  }
  func.func @transform_3(%arg0: i32) -> (i32, i32) {
    %c0_i32 = arith.constant 0 : i32
    %c0_i32_0 = arith.constant 0 : i32
    %c0_i32_1 = arith.constant 0 : i32
    return %c0_i32, %c0_i32_0 : i32, i32
  }
  func.func @transform_4(%arg0: i32) -> (i32, i32) {
    %c0_i32 = arith.constant 0 : i32
    %c0_i32_0 = arith.constant 0 : i32
    return %arg0, %c0_i32 : i32, i32
  }
  func.func @transform_5(%arg0: i32) -> i32 {
    %c0_i32 = arith.constant 0 : i32
    return %arg0 : i32
  }
}

</mosaic_0001>

<sc_bundles>
// kernel: kernel.4.cloned.1.call-start
scs
__scs_entry_jumppad:
0x0: {  	(pc) =	sbr.rel $0x88, $3  }
0x1: {  	(tag) =	ssettag $0x0;
	lr =	simm.s32 $0x1  }
0x2: {  	[smem:$0x3F9D] =	sst lr;
	_ =	strace $0xD0000000  }
0x3: {  	_ = 	snop  }
0x4: {  	_ = 	snop  }
0x5: {  	_ = 	snop  }
0x6: {  	_ = 	snop  }
0x7: {  	_ = 	snop  }
__scs_overlays_trampoline_lowered:
0x8: {  	[smem:$0x3FAC] =	sst s0  }
0x9: {  	[smem:$0x3FAD] =	sst s1  }
0xa: {  	[smem:$0x3FAE] =	sst s2  }
0xb: {  	[smem:$0x3FAF] =	sst s3  }
0xc: {  	[smem:$0x3FB0] =	sst s4  }
0xd: {  	[smem:$0x3FB1] =	sst s5  }
0xe: {  	[smem:$0x3FB2] =	sst s6  }
0xf: {  	[smem:$0x3FB3] =	sst s7  }
0x10: {  	[smem:$0x3FB4] =	sst s8  }
0x11: {  	[smem:$0x3FB5] =	sst s9;
	s0 =	simm.s32 @!p0 $0x0  }
0x12: {  	s1 =	sld [smem:$0x3F9B];
	s0 =	simm.s32 @p0 $0x1  }
0x13: {  	[smem:$0x3FB6] =	sst s0;
	s0 =	simm.s32 @!p1 $0x0  }
0x14: {  	s2 =	sld [smem:$0x3F9A];
	s0 =	simm.s32 @p1 $0x1  }
0x15: {  	[smem:$0x3FB7] =	sst s0;
	s0 =	simm.s32 @!p2 $0x0  }
0x16: {  	s3 =	sld [smem:$0x3FDB];
	s0 =	simm.s32 @p2 $0x1  }
0x17: {  	s4 =	simm.s32 $0x1BF5;
	[smem:$0x3FB9] =	sst s0  }
0x18: {  	s0 =	sld [smem:$0x3F9C];
	_ =	swait.ge [sflag:s4], $0x0  }
0x19: {  	s7 =	sld [smem:$0x3F9D]  }
0x1a: {  	s8 =	sadd.s32 $0xFFFFE003, lr  }
0x1b: {  	s9 =	sadd.s32 $0xFFFFFEF7, lr;
	s5 =	simm.s32 $0xFFFFFFFF;
	p2 =	slt.u32 s8, $0xFFFFF086  }
0x1c: {  	p1 =	slt.u32 s9, $0xF7A;
	s5 =	simm.s32 @!p2 $0x0  }
0x1d: {  	s5 =	simm.s32 @p1 $0x1;
	p0 =	seq.s32 s7, s2  }
0x1e: {  	s7 =	smul.u32 @!p0 $0xF7A, s2;
	p2 =	seq.s32 @!p0 s5, $0x0  }
0x1f: {  	s9 =	smul.u32 $0xF7A, s1;
	s8 =	simm.s32 @!p0 $0x1BF5;
	p2 =	por !p2, p0  }
0x20: {  	[sflag:s8] =	ssyncset.s32 @!p0 $0xFFFFF086;
	s6 =	sadd.s32 @!p0 s3, s7;
	s7 =	simm.s32 @!p0 $0x108  }
0x21: {  	s3 =	sadd.s32 s3, s9;
	s6 =	sadd.s32 @!p0 $0x88, s6;
	s7 =	simm.s32 @p2 $0x1082  }
0x22: {  	[simem:s7], [sflag:s8] =	dma.local @!p0 [hbm:s6], $0xF7A  }
0x23: {  	s9 =	sor.u32 $0xD0000000, s2;
	s6 =	simm.s32 $0x108;
	_ =	swait.ge @!p0 [sflag:s8], $0x0  }
0x24: {  	s3 =	sadd.s32 $0x88, s3;
	s6 =	simm.s32 @!p1 $0x1082;
	[sflag:s4] =	ssyncset.s32 $0xFFFFF086  }
0x25: {  	[simem:s6], [sflag:s4] =	dma.local [hbm:s3], $0xF7A  }
0x26: {  	[smem:$0x3F9D] =	sst s1;
	(tag) =	ssettag s2;
	_ =	strace s9  }
0x27: {  	s1 =	sld [smem:$0x3FAD]  }
0x28: {  	s2 =	sld [smem:$0x3FAE]  }
0x29: {  	s4 =	sld [smem:$0x3FB0]  }
0x2a: {  	p0 =	seq.s32 s5, $0x0;
	s5 =	sld [smem:$0x3FB1]  }
0x2b: {  	s6 =	sld [smem:$0x3FB2]  }
0x2c: {  	s7 =	sld [smem:$0x3FB3]  }
0x2d: {  	s3 =	simm.s32 $0x108;
	s8 =	sld [smem:$0x3FB4]  }
0x2e: {  	s3 =	simm.s32 @!p0 $0x1082;
	s9 =	sld [smem:$0x3FB5]  }
0x2f: {  	lr =	sadd.s32 s0, s3;
	s0 =	sld [smem:$0x3FAC]  }
0x30: {  	s3 =	sld [smem:$0x3FAF]  }
0x31: {  	[smem:$0x3FB8] =	sst s10  }
0x32: {  	s10 =	sld [smem:$0x3FB6];
	_ =	sdelay $0x3  }
0x33: {  	p0 =	seq.s32 s10, $0x1;
	s10 =	sld [smem:$0x3FB8];
	_ =	sdelay $0x3  }
0x34: {  	[smem:$0x3FB8] =	sst s10  }
0x35: {  	s10 =	sld [smem:$0x3FB7];
	_ =	sdelay $0x3  }
0x36: {  	p1 =	seq.s32 s10, $0x1;
	s10 =	sld [smem:$0x3FB8];
	_ =	sdelay $0x3  }
0x37: {  	[smem:$0x3FB8] =	sst s10  }
0x38: {  	s10 =	sld [smem:$0x3FB9]  }
0x39: {  	_ = 	snop;
	(pc) =	sbr.ind lr, $3  }
0x3a: {  	_ = 	snop  }
0x3b: {  	_ = 	snop  }
0x3c: {  	p2 =	seq.s32 s10, $0x1;
	s10 =	sld [smem:$0x3FB8]  }
0x3d: {  	_ =	shalt  }
0x3e: {  	_ =	shalt  }
0x3f: {  	_ =	shalt  }
0x40: {  	_ =	shalt  }
0x41: {  	_ =	shalt  }
0x42: {  	_ =	shalt  }
0x43: {  	_ =	shalt  }
0x44: {  	_ =	shalt  }
0x45: {  	_ =	shalt  }
0x46: {  	_ =	shalt  }
0x47: {  	_ =	shalt  }
0x48: {  	_ =	shalt  }
0x49: {  	_ =	shalt  }
0x4a: {  	_ =	shalt  }
0x4b: {  	_ =	shalt  }
0x4c: {  	_ =	shalt  }
0x4d: {  	_ =	shalt  }
0x4e: {  	_ =	shalt  }
0x4f: {  	_ =	shalt  }
0x50: {  	_ =	shalt  }
0x51: {  	_ =	shalt  }
0x52: {  	_ =	shalt  }
0x53: {  	_ =	shalt  }
0x54: {  	_ =	shalt  }
0x55: {  	_ =	shalt  }
0x56: {  	_ =	shalt  }
0x57: {  	_ =	shalt  }
0x58: {  	_ =	shalt  }
0x59: {  	_ =	shalt  }
0x5a: {  	_ =	shalt  }
0x5b: {  	_ =	shalt  }
0x5c: {  	_ =	shalt  }
0x5d: {  	_ =	shalt  }
0x5e: {  	_ =	shalt  }
0x5f: {  	_ =	shalt  }
0x60: {  	_ =	shalt  }
0x61: {  	_ =	shalt  }
0x62: {  	_ =	shalt  }
0x63: {  	_ =	shalt  }
0x64: {  	_ =	shalt  }
0x65: {  	_ =	shalt  }
0x66: {  	_ =	shalt  }
0x67: {  	_ =	shalt  }
0x68: {  	_ =	shalt  }
0x69: {  	_ =	shalt  }
0x6a: {  	_ =	shalt  }
0x6b: {  	_ =	shalt  }
0x6c: {  	_ =	shalt  }
0x6d: {  	_ =	shalt  }
0x6e: {  	_ =	shalt  }
0x6f: {  	_ =	shalt  }
0x70: {  	_ =	shalt  }
0x71: {  	_ =	shalt  }
0x72: {  	_ =	shalt  }
0x73: {  	_ =	shalt  }
0x74: {  	_ =	shalt  }
0x75: {  	_ =	shalt  }
0x76: {  	_ =	shalt  }
0x77: {  	_ =	shalt  }
0x78: {  	_ =	shalt  }
0x79: {  	_ =	shalt  }
0x7a: {  	_ =	shalt  }
0x7b: {  	_ =	shalt  }
0x7c: {  	_ =	shalt  }
0x7d: {  	_ =	shalt  }
0x7e: {  	_ =	shalt  }
0x7f: {  	_ =	shalt  }
0x80: {  	_ =	shalt  }
0x81: {  	_ =	shalt  }
0x82: {  	_ =	shalt  }
0x83: {  	_ =	shalt  }
0x84: {  	_ =	shalt  }
0x85: {  	_ =	shalt  }
0x86: {  	_ =	shalt  }
0x87: {  	_ =	shalt  }
.Lfunc_end0:
.L_simem_size_0:
called_computation_lowered:
.L_overlay_start_0:
0x88: {  	s2 =	sld [smem:$0x3FD9]  }
0x89: {  	s3 =	sld [smem:$0x3FFE];
	_ =	sdelay $0x1  }
0x8a: {  	s1 =	srdreg.scid  }
0x8b: {  	s0 =	sand.u32 $0x1, s1  }
0x8c: {  	s17 =	sshll.u32 s0, $0xA;
	s2 =	sadd.s32 s3, s2  }
0x8d: {  	s2 =	sadd.s32 s2, s17  }
0x8e: {  	[smem:$0x3FC4] =	sst s2  }
0x8f: {  	_ = 	snop  }
0x90: {  	s2 =	sld [smem:$0x3FD0];
	(tm) =	ssettm $0x1  }
0x91: {  	s18 =	sld [smem:$0x3FFB];
	_ =	sdelay $0x3  }
0x92: {  	_ =	strace s18  }
0x93: {  	s3 =	sld [smem:$0x3FFC];
	_ =	sdelay $0x3  }
0x94: {  	_ =	strace s3  }
0x95: {  	s3 =	sld [smem:$0x3FFD];
	_ =	sdelay $0x3  }
0x96: {  	_ =	strace s3  }
0x97: {  	_ =	strace $0x8FFFFFFF  }
0x98: {  	s19 =	sld [smem:$0x3FDB];
	_ =	sdelay $0x1  }
0x99: {  	s4 =	simm.s32 $_scs_section_size  }
0x9a: {  	s5 =	simm.s32 $_size__tile_overlayer_lowered;
	s6 =	simm.s32 $_tile_overlayer_lowered  }
0x9b: {  	s22 =	simm.s32 $0x1BFF;
	s21 =	sshll.u32 s6, $0x1;
	s3 =	sadd.s32 s4, s19  }
0x9c: {  	s7 =	simm.s32 $0x0;
	s20 =	sshll.u32 s5, $0x1;
	s5 =	sadd.s32 s21, s3  }
0x9d: {  	[timem:s7], [sflag:s22] =	dma.local [hbm:s5], s20  }
0x9e: {  	_ =	swait.ge [sflag:s22], s20  }
0x9f: {  	s4 =	ssub.s32 $0x0, s20;
	[sflag:s22] =	ssyncset.done $0x0  }
0xa0: {  	[sflag:s22] =	ssyncadd.s32 s4;
	_ =	sdelay $0x1  }
0xa1: {  	s23 =	simm.s32 $0x1B8B  }
0xa2: {  	_ =	swait.ge [sflag:s23], $0x1  }
0xa3: {  	[sflag:s23] =	ssyncset.done $0x0  }
0xa4: {  	s25 =	simm.s32 $0x1B8E;
	s24 =	sld [smem:$0x3FFE];
	[sflag:s23] =	ssyncadd.s32 $0xFFFFFFFF  }
0xa5: {  	s26 =	simm.s32 $execute0_lowered;
	[smem:$0x3FD2] =	sst s25  }
0xa6: {  	s5 =	sshll.u32 s26, $0x1;
	_ =	strace $0x80000046;
	[dreg:$0x1] =	wrdreg $0xFFFFFFFF  }
0xa7: {  	s28 =	simm.s32 $_size_execute0_lowered;
	s3 =	sadd.s32 s3, s5;
	[dreg:$0x0] =	wrdreg $0x0  }
0xa8: {  	s5 =	sshll.u32 s28, $0x1;
	[dreg:$0x2] =	wrdreg s3  }
0xa9: {  	[dreg:$0x3] =	wrdreg s5  }
0xaa: {  	[dreg:$0x4] =	wrdreg $0xC0  }
0xab: {  	_ =	task [dreg:s7], $0x5FFFF  }
0xac: {  	[dreg:$0x1] =	wrdreg $0xFFFFFFFF  }
0xad: {  	[dreg:$0x0] =	wrdreg $0x60  }
0xae: {  	[dreg:$0x2] =	wrdreg s24  }
0xaf: {  	[dreg:$0x3] =	wrdreg s2  }
0xb0: {  	[dreg:$0x4] =	wrdreg $0xE4A00  }
0xb1: {  	[dreg:$0x5] =	wrdreg $0x9  }
0xb2: {  	_ =	task.clear_ibuf [dreg:s7], $0x6FFFF;
	_ =	strace $0x90000046  }
0xb3: {  	s29 =	simm.s32 $0x9;
	_ =	strace $0x80000048  }
0xb4: {  	_ =	swait.ge [sflag:s29], $0x1  }
0xb5: {  	[sflag:s29] =	ssyncadd.s32 $0xFFFFFFFF  }
0xb6: {  	_ =	strace $0x90000048  }
0xb7: {  	_ =	sfence  }
0xb8: {  	s30 =	sld [smem:$0x0];
	_ =	sdelay $0x2  }
0xb9: {  	s31 =	sshll.u32 s1, $0xD;
	s1 =	sshrl.u32 s1, $0x2  }
0xba: {  	s3 =	sand.u32 $0x4000, s31;
	s1 =	sadd.s32 s1, s30  }
0xbb: {  	s0 =	sor.u32 s3, s0;
	s1 =	sshll.u32 s1, $0x11  }
0xbc: {  	s0 =	sor.u32 s1, s0  }
0xbd: {  	s0 =	sadd.s32 $0x8F2B, s0  }
0xbe: {  	[sflag:s0] =	ssyncadd.remote.s32 $0x1  }
0xbf: {  	_ =	sfence.sel $0xFFFF  }
0xc0: {  	[dreg:$0x0] =	wrdreg $0xFFFFFFFF;
	(pc) =	sbr.abs _section_cstart, $3  }
0xc1: {  	[dreg:$0x1] =	wrdreg $0xFFFFFFFF  }
0xc2: {  	_ =	task.clear_ibuf [dreg:s7], $0x2FFFF;
	_ =	strace $0x9FFFFFFF  }
0xc3: {  	(tm) =	ssettm $0x7FFFFFFF  }
tec
execute0_lowered:
.L_overlay_start_1:
0x0: {  	(tag) =	ssettag $0x1  }
0x1: {  	s0 =	rddreg [dreg:$0x0]  }
0x2: {  	s1 =	rddreg [dreg:$0x1]  }
0x3: {  	s2 =	rddreg [dreg:$0x2];
	s4 =	simm.s32 $0x0  }
0x4: {  	s3 =	srdreg.scid;
	s9 =	stileid.u32;
	s30 =	simm.s32 $0xA4A0  }
0x5: {  	s31 =	simm.s32 $0xC4A0;
	s12 =	simm.s32 $0x1;
	s28 =	simm.s32 $0x82A0  }
0x6: {  	s29 =	simm.s32 $0x8320;
	s10 =	simm.s32 $0x3;
	[smem:$0x7FF] =	sst s4  }
0x7: {  	s5 =	sand.u32 $0x1, s3;
	s14 =	sshll.u32 s9, $0xA;
	s6 =	sadd.s32 $0x4E00, s0  }
0x8: {  	s8 =	sshll.u32 s9, $0xD;
	s16 =	sshll.u32 s9, $0x3;
	s17 =	sshll.u32 s9, $0x10  }
0x9: {  	s11 =	sadd.s32 $0x200, s1;
	_ =	strace $0x80000047;
	[dreg:$0x4] =	wrdreg s5  }
0xa: {  	s3 =	sadd.s32 s14, s0;
	s0 =	sadd.s32 $0x24E00, s0;
	[dreg:$0x10] =	wrdreg s6  }
0xb: {  	s1 =	simm.s32 $0x8020;
	s19 =	sadd.s32 s17, s2;
	[dreg:$0x5] =	wrdreg s0  }
0xc: {  	s9 =	simm.s32 $0x80A0;
	s3 =	sadd.s32 $0xE00, s3;
	[dreg:$0x7] =	wrdreg s19  }
0xd: {  	s5 =	ssub.s32 $0x2, s5;
	s20 =	sadd.s32 $0x2000, s19;
	[dreg:$0x6] =	wrdreg s3  }
0xe: {  	s18 =	sor.u32 $0x20000, s16;
	s21 =	sadd.s32 $0x4000, s19;
	[dreg:$0x9] =	wrdreg s20  }
0xf: {  	s16 =	simm.s32 $0x80;
	s22 =	sadd.s32 $0x6000, s19;
	[dreg:$0xa] =	wrdreg s21  }
0x10: {  	s6 =	simm.s32 $0x8420;
	s23 =	sadd.s32 $0x8000, s19;
	[dreg:$0xb] =	wrdreg s22  }
0x11: {  	s7 =	sshrl.u32 s5, $0x1;
	s24 =	sadd.s32 $0xA000, s19;
	[dreg:$0xc] =	wrdreg s23  }
0x12: {  	s25 =	sadd.s32 $0xC000, s19;
	s26 =	sadd.s32 $0xE000, s19;
	[dreg:$0xd] =	wrdreg s24  }
0x13: {  	s19 =	simm.s32 $0x8120;
	s15 =	ssub.s32 s5, s7;
	[dreg:$0xe] =	wrdreg s25  }
0x14: {  	[dreg:$0xf] =	wrdreg s26;
	s20 =	simm.s32 $0x5;
	s23 =	simm.s32 $0x8080  }
0x15: {  	s24 =	simm.s32 $0x2000;
	s25 =	simm.s32 $0x5010;
	s3 =	simm.s32 $0x4  }
0x16: {  	v1 =	vimm.s32 $0x0;
	v2 =	vlaneseq.u32;
	v3 =	vimm.s32 $0x1;
	s21 =	simm.s32 $0x81A0;
	s26 =	simm.s32 $0x8220;
	s0 =	smax.u32 s15, $0x1  }
0x17: {  	vm0 =	vmmov $0xffff;
	v4 =	vmul.u32 $0x8, v2;
	v0 =	vmov s18;
	s7 =	simm.s32 $0x0;
	[dreg:$0x8] =	wrdreg s0;
	s0 =	simm.s32 $0xD4A0  }
.LBB2_1:
0x18: {  	[dreg:$0x11] =	wrdreg s7  }
0x19: {  	s5 =	rddreg [dreg:$0x6]  }
0x1a: {  	[tilespmem:s4], [sflag:$0x5] =	stream.linear.gather [hbm4b:s5+s4], $0x2000, $0x38;
	[tilespmem:$0x1E520] =	vst v63  }
0x1b: {  	_ =	swait.ge [sflag:s20], $0x2000  }
0x1c: {  	[sflag:s20] =	ssyncset.done $0x0  }
0x1d: {  	s22 =	simm.s32 $0x84A0;
	s18 =	rddreg [dreg:$0x5];
	[sflag:s20] =	ssyncadd.s32 $0xFFFFE000  }
0x1e: {  	[tilespmem:s22], [sflag:$0x5] =	stream.linear.gather [hbm4b:s18+s4], $0x2000, $0x38;
	[tilespmem:$0x1E520] =	vst v63  }
0x1f: {  	_ =	swait.ge [sflag:s20], $0x2000  }
0x20: {  	[sflag:s20] =	ssyncset.done $0x0  }
0x21: {  	s7 =	simm.s32 $0x0;
	s5 =	simm.s32 $0x40;
	[sflag:s20] =	ssyncadd.s32 $0xFFFFE000  }
.LBB2_2:
0x22: {  	p0 =	sne.s32 s5, $0xC000;
	[tilespmem:s7+$0x2000] =	vst v1;
	s13 =	smov.u32 s5;
	s5 =	sadd.s32 $0x40, s5  }
.Ltmp0:
0x23: {  	[tilespmem:s7+$0x5010] =	vst v0;
	(pc) =	sbr.rel @p0 .LBB2_2-.Ltmp0, $2  }
0x24: {  	_ =	sdelay $0x2  }
0x25: {  	s7 =	sshra.s32 s13, $0x2  }
0x26: {  	s5 =	simm.s32 $0x0  }
0x27: {  	v5 =	vor.u32 s5, v2  }
0x28: {  	[tilespmem:s7+$0x2000] =	vst v1  }
0x29: {  	[tilespmem:s7+$0x5010] =	vst v0  }
0x2a: {  	[tilespmem:$0x8020] =	vst v1  }
0x2b: {  	[tilespmem:$0x8030] =	vst v1  }
0x2c: {  	v5 =	vld.idx.msk [tilespmem:v5+s4+$0x0], $0xffff;
	_ =	sdelay $0x4  }
0x2d: {  	s22 =	simm.s32 $0x10;
	v5 =	vshrl.u32 v5, $0x11  }
0x2e: {  	v6 =	vor.u32 s22, v2;
	s5 =	simm.s32 $0x20  }
.LBB2_4:
0x2f: {  	p0 =	sne.s32 s5, $0x1FF0;
	_ =	sdelay $0x2  }
0x30: {  	[tilespmem:v5+s1+$0x0] =	vst.idx.add.s32.msk $0xffff, v3  }
0x31: {  	v5 =	vld.idx.msk [tilespmem:v6+s4+$0x0], $0xffff;
	_ =	sdelay $0x2  }
.Ltmp1:
0x32: {  	(pc) =	sbr.rel @p0 .LBB2_4-.Ltmp1, $3  }
0x33: {  	_ =	sdelay $0x1  }
0x34: {  	v5 =	vshrl.u32 v5, $0x11  }
0x35: {  	v6 =	vor.u32 s5, v2;
	s5 =	sadd.s32 $0x10, s5  }
0x36: {  	_ =	sdelay $0x3  }
0x37: {  	[tilespmem:v5+s1+$0x0] =	vst.idx.add.s32.msk $0xffff, v3  }
0x38: {  	v5 =	vld.idx.msk [tilespmem:v6+s4+$0x0], $0xffff;
	_ =	sdelay $0x4  }
0x39: {  	v5 =	vshrl.u32 v5, $0x11;
	_ =	sdelay $0x4  }
0x3a: {  	[tilespmem:v5+s1+$0x0] =	vst.idx.add.s32.msk $0xffff, v3  }
0x3b: {  	v5 =	vld [tilespmem:$0x8020]  }
0x3c: {  	v6 =	vld [tilespmem:$0x8030];
	_ =	sdelay $0x3  }
0x3d: {  	v5 =	vadd.s32 $0x7F, v5  }
0x3e: {  	v6 =	vadd.s32 $0x7F, v6;
	v5 =	vand.u32 $0xFFFFFF80, v5  }
0x3f: {  	v6 =	vand.u32 $0xFFFFFF80, v6;
	(xrf0) =	vadd.scan.msk.s32 $0xffff, v5  }
0x40: {  	(xrf0) =	vadd.scan.msk.s32 $0xffff, v6;
	_ =	sdelay $0x4  }
0x41: {  	v7, _, _ =	vpop (xrf0)  }
0x42: {  	v8, _, _ =	vpop (xrf0);
	v9 =	vbroadcast v7, $0xF  }
0x43: {  	s17 =	simm.s32 $0x0;
	[tilespmem:$0x8060] =	vst v5;
	v8 =	vsub.s32 v8, v6  }
0x44: {  	[tilespmem:$0x8070] =	vst v6;
	v7 =	vsub.s32 v7, v5;
	v8 =	vadd.s32 v9, v8;
	v9 =	vor.u32 s17, v2  }
0x45: {  	[tilespmem:$0x8040] =	vst v7  }
0x46: {  	[tilespmem:$0x8080] =	vst v7  }
0x47: {  	[tilespmem:$0x8050] =	vst v8  }
0x48: {  	[tilespmem:$0x8090] =	vst v8  }
0x49: {  	v8 =	vld.idx.msk [tilespmem:v9+s17+$0x0], $0xffff;
	_ =	sdelay $0x4  }
0x4a: {  	v5 =	vshrl.u32 v8, $0x11  }
0x4b: {  	(xrf1) =	vunique.msk.u32 $0xffff, v5;
	_ =	sdelay $0x9  }
0x4c: {  	v6 =	vld.idx.msk [tilespmem:v5+s23+$0x0], $0xffff;
	_ =	sdelay $0x3  }
0x4d: {  	_, v7, _ =	vpop (xrf1)  }
0x4e: {  	v6 =	vadd.s32 v7, v6  }
0x4f: {  	v6 =	vadd.s32 $0xFFFFFFFF, v6;
	_ =	sdelay $0x1  }
0x50: {  	s5 =	simm.s32 $0x10  }
0x51: {  	s7 =	sadd.s32 $0x0, s8;
	v7 =	vor.u32 s5, v2  }
0x52: {  	v9 =	vor.u32 s7, v2  }
0x53: {  	s7 =	simm.s32 $0x20;
	v8 =	vand.u32 $0x1FFFF, v8;
	[tilespmem:v6+s24+$0x0] =	vst.idx.msk $0xffff, v9  }
.LBB2_6:
0x54: {  	p0 =	sne.s32 s7, $0x1FF0;
	[tilespmem:v6+s25+$0x0] =	vst.idx.msk $0xffff, v8  }
0x55: {  	[tilespmem:v5+s23+$0x0] =	vst.idx.add.s32.msk $0xffff, v3  }
0x56: {  	v8 =	vld.idx.msk [tilespmem:v7+s17+$0x0], $0xffff;
	_ =	sdelay $0x5  }
0x57: {  	v5 =	vshrl.u32 v8, $0x11  }
0x58: {  	(xrf1) =	vunique.msk.u32 $0xffff, v5;
	_ =	sdelay $0x8  }
0x59: {  	v6 =	vld.idx.msk [tilespmem:v5+s23+$0x0], $0xffff;
	_ =	sdelay $0x4  }
0x5a: {  	_, v7, _ =	vpop (xrf1)  }
0x5b: {  	v6 =	vadd.s32 v7, v6  }
0x5c: {  	v6 =	vadd.s32 $0xFFFFFFFF, v6  }
.Ltmp2:
0x5d: {  	(pc) =	sbr.rel @p0 .LBB2_6-.Ltmp2, $4  }
0x5e: {  	_ = 	snop  }
0x5f: {  	s13 =	sadd.s32 s5, s8;
	s5 =	smov.u32 s7;
	v7 =	vor.u32 s7, v2  }
0x60: {  	v9 =	vor.u32 s13, v2  }
0x61: {  	v8 =	vand.u32 $0x1FFFF, v8;
	s7 =	sadd.s32 $0x10, s7;
	[tilespmem:v6+s24+$0x0] =	vst.idx.msk $0xffff, v9  }
0x62: {  	_ =	sdelay $0x3  }
0x63: {  	[tilespmem:v6+s25+$0x0] =	vst.idx.msk $0xffff, v8  }
0x64: {  	[tilespmem:v5+s23+$0x0] =	vst.idx.add.s32.msk $0xffff, v3  }
0x65: {  	v5 =	vld.idx.msk [tilespmem:v7+s17+$0x0], $0xffff;
	_ =	sdelay $0x4  }
0x66: {  	v6 =	vshrl.u32 v5, $0x11  }
0x67: {  	(xrf1) =	vunique.msk.u32 $0xffff, v6;
	_ =	sdelay $0x9  }
0x68: {  	v7 =	vld.idx.msk [tilespmem:v6+s23+$0x0], $0xffff;
	_ =	sdelay $0x3  }
0x69: {  	_, v62, _ =	vpop (xrf1)  }
0x6a: {  	v7 =	vadd.s32 v62, v7  }
0x6b: {  	v7 =	vadd.s32 $0xFFFFFFFF, v7;
	_ =	sdelay $0x2  }
0x6c: {  	s5 =	sadd.s32 s5, s8  }
0x6d: {  	v63 =	vor.u32 s5, v2  }
0x6e: {  	v5 =	vand.u32 $0x1FFFF, v5;
	[tilespmem:v7+s24+$0x0] =	vst.idx.msk $0xffff, v63  }
0x6f: {  	[tilespmem:v7+s25+$0x0] =	vst.idx.msk $0xffff, v5  }
0x70: {  	[tilespmem:v6+s23+$0x0] =	vst.idx.add.s32.msk $0xffff, v3  }
.LBB2_8:
0x71: {  	s5 =	rddreg [dreg:$0x7];
	s7 =	simm.s32 $0x84A0  }
0x72: {  	[spmem:s5] =	stream.linear.scatter [tilespmem:s7], [sflag:$0x2], $0x2000, $0x38;
	[tilespmem:$0x1E520] =	vst v63  }
0x73: {  	s1 =	rddreg [dreg:$0x9]  }
0x74: {  	[spmem:s1] =	stream.linear.scatter [tilespmem:s7], [sflag:$0x2], $0x2000, $0x38;
	[tilespmem:$0x1E520] =	vst v63  }
0x75: {  	s13 =	rddreg [dreg:$0xa]  }
0x76: {  	[spmem:s13] =	stream.linear.scatter [tilespmem:s7], [sflag:$0x2], $0x2000, $0x38;
	[tilespmem:$0x1E520] =	vst v63  }
0x77: {  	s14 =	rddreg [dreg:$0xb]  }
0x78: {  	[spmem:s14] =	stream.linear.scatter [tilespmem:s7], [sflag:$0x2], $0x2000, $0x38;
	[tilespmem:$0x1E520] =	vst v63  }
0x79: {  	s15 =	rddreg [dreg:$0xc]  }
0x7a: {  	[spmem:s15] =	stream.linear.scatter [tilespmem:s7], [sflag:$0x2], $0x2000, $0x38;
	[tilespmem:$0x1E520] =	vst v63  }
0x7b: {  	s18 =	rddreg [dreg:$0xd]  }
0x7c: {  	[spmem:s18] =	stream.linear.scatter [tilespmem:s7], [sflag:$0x2], $0x2000, $0x38;
	[tilespmem:$0x1E520] =	vst v63  }
0x7d: {  	s22 =	rddreg [dreg:$0xe]  }
0x7e: {  	[spmem:s22] =	stream.linear.scatter [tilespmem:s7], [sflag:$0x2], $0x2000, $0x38;
	[tilespmem:$0x1E520] =	vst v63  }
0x7f: {  	s1 =	rddreg [dreg:$0xf];
	s13 =	simm.s32 $0x2  }
0x80: {  	[spmem:s1] =	stream.linear.scatter [tilespmem:s7], [sflag:$0x2], $0x2000, $0x38;
	[tilespmem:$0x1E520] =	vst v63  }
0x81: {  	_ =	swait.ge [sflag:s13], $0x2000  }
0x82: {  	[sflag:s13] =	ssyncset.done $0x0  }
0x83: {  	[sflag:s13] =	ssyncadd.s32 $0xFFFFE000  }
0x84: {  	_ =	swait.ge [sflag:s13], $0x2000  }
0x85: {  	[sflag:s13] =	ssyncset.done $0x0  }
0x86: {  	[sflag:s13] =	ssyncadd.s32 $0xFFFFE000  }
0x87: {  	_ =	swait.ge [sflag:s13], $0x2000  }
0x88: {  	[sflag:s13] =	ssyncset.done $0x0  }
0x89: {  	[sflag:s13] =	ssyncadd.s32 $0xFFFFE000  }
0x8a: {  	_ =	swait.ge [sflag:s13], $0x2000  }
0x8b: {  	[sflag:s13] =	ssyncset.done $0x0  }
0x8c: {  	[sflag:s13] =	ssyncadd.s32 $0xFFFFE000  }
0x8d: {  	_ =	swait.ge [sflag:s13], $0x2000  }
0x8e: {  	[sflag:s13] =	ssyncset.done $0x0  }
0x8f: {  	[sflag:s13] =	ssyncadd.s32 $0xFFFFE000  }
0x90: {  	_ =	swait.ge [sflag:s13], $0x2000  }
0x91: {  	[sflag:s13] =	ssyncset.done $0x0  }
0x92: {  	[sflag:s13] =	ssyncadd.s32 $0xFFFFE000  }
0x93: {  	_ =	swait.ge [sflag:s13], $0x2000  }
0x94: {  	s7 =	sshll.u32 s17, $0x1;
	s14 =	rddreg [dreg:$0x4]  }
0x95: {  	s5 =	sor.u32 s14, s7  }
0x96: {  	[sflag:s13] =	ssyncset.done $0x0;
	v5 =	vmov s5  }
0x97: {  	[sflag:s13] =	ssyncadd.s32 $0xFFFFE000  }
0x98: {  	_ =	swait.ge [sflag:s13], $0x2000  }
0x99: {  	[sflag:s13] =	ssyncset.done $0x0  }
0x9a: {  	s15 =	simm.s32 $0x8040;
	[sflag:s13] =	ssyncadd.s32 $0xFFFFE000  }
0x9b: {  	s18 =	simm.s32 $0x8060;
	v6 =	vld.idx.msk [tilespmem:v5+s15+$0x0], $0xffff  }
0x9c: {  	v5 =	vld.idx.msk [tilespmem:v5+s18+$0x0], $0xffff;
	_ =	sdelay $0x3  }
0x9d: {  	v6 =	vxor.u32 $0x80000000, v6  }
0x9e: {  	v5 =	vxor.u32 $0x80000000, v5;
	(xrf0) =	vmax.scan.msk.u32 $0xffff, v6  }
0x9f: {  	(xrf0) =	vmax.scan.msk.u32 $0xffff, v5;
	_ =	sdelay $0x4  }
0xa0: {  	v5, _, _ =	vpop (xrf0)  }
0xa1: {  	(v2sf) =	vpush v5, $0xF;
	v5, _, _ =	vpop (xrf0)  }
0xa2: {  	(v2sf) =	vpush v5, $0xF;
	_ =	sdelay $0xd  }
0xa3: {  	s13 =	spop (v2sf)  }
0xa4: {  	s22 =	spop (v2sf)  }
0xa5: {  	s7 =	sshrl.u32 s22, $0x7  }
0xa6: {  	p0 =	seq.s32 s7, $0x1000000  }
.Ltmp3:
0xa7: {  	_ = 	snop;
	(pc) =	sbr.rel @p0 .LBB2_11-.Ltmp3, $3  }
0xa8: {  	_ =	sdelay $0x1  }
0xa9: {  	[bflag:$0x0] =	sbarrier.arrive $0xFFFF  }
0xaa: {  	s1 =	simm.s32 $0x83A0;
	s22 =	rddreg [dreg:$0x10]  }
0xab: {  	s14 =	sshll.u32 s13, $0x2  }
0xac: {  	s14 =	sshra.s32 s14, $0x2  }
0xad: {  	s13 =	sxor.u32 $0x80000000, s13;
	s15 =	simm.s32 $0x1;
	s14 =	sadd.s32 $0x2000, s14  }
.LBB2_10:
0xae: {  	v5 =	vor.u32 s13, v2  }
0xaf: {  	[tilespmem:s9], [sflag:$0x1] =	stream.indirect.gather [hbm4b:s22+s16], $0x8, s14, s16, $0xb8;
	[tilespmem:$0x1E520] =	vst v63  }
0xb0: {  	_ =	swait.ge [sflag:s12], $0x400  }
0xb1: {  	[sflag:s12] =	ssyncset.done $0x0  }
0xb2: {  	[sflag:s12] =	ssyncadd.s32 $0xFFFFFC00  }
0xb3: {  	v5 =	vld.idx.msk [tilespmem:v5+s25+$0x0], $0xffff;
	_ =	sdelay $0x2  }
0xb4: {  	s18 =	sadd.s32 $0x10, s13  }
0xb5: {  	v6 =	vor.u32 s18, v2;
	_ =	sdelay $0x3  }
0xb6: {  	[spmem:s2] =	stream.indirect_vreg.scatter.add.f32 [tilespmem:s9], [sflag:$0x3], $0x8, v5, vm0, $0xb8;
	[tilespmem:$0x1E520] =	vst v63  }
0xb7: {  	v5 =	vld.idx.msk [tilespmem:v6+s25+$0x0], $0xffff;
	_ =	sdelay $0x2  }
0xb8: {  	s18 =	sadd.s32 $0x20, s13  }
0xb9: {  	v6 =	vor.u32 s18, v2;
	_ =	sdelay $0x3  }
0xba: {  	[spmem:s2] =	stream.indirect_vreg.scatter.add.f32 [tilespmem:s19], [sflag:$0x3], $0x8, v5, vm0, $0xb8;
	[tilespmem:$0x1E520] =	vst v63  }
0xbb: {  	v5 =	vld.idx.msk [tilespmem:v6+s25+$0x0], $0xffff;
	_ =	sdelay $0x2  }
0xbc: {  	s18 =	sadd.s32 $0x30, s13  }
0xbd: {  	v6 =	vor.u32 s18, v2;
	_ =	sdelay $0x3  }
0xbe: {  	[spmem:s2] =	stream.indirect_vreg.scatter.add.f32 [tilespmem:s21], [sflag:$0x3], $0x8, v5, vm0, $0xb8;
	[tilespmem:$0x1E520] =	vst v63  }
0xbf: {  	v5 =	vld.idx.msk [tilespmem:v6+s25+$0x0], $0xffff;
	_ =	sdelay $0x2  }
0xc0: {  	s18 =	sadd.s32 $0x40, s13  }
0xc1: {  	v6 =	vor.u32 s18, v2;
	_ =	sdelay $0x3  }
0xc2: {  	[spmem:s2] =	stream.indirect_vreg.scatter.add.f32 [tilespmem:s26], [sflag:$0x3], $0x8, v5, vm0, $0xb8;
	[tilespmem:$0x1E520] =	vst v63  }
0xc3: {  	v5 =	vld.idx.msk [tilespmem:v6+s25+$0x0], $0xffff;
	_ =	sdelay $0x2  }
0xc4: {  	s18 =	sadd.s32 $0x50, s13  }
0xc5: {  	v6 =	vor.u32 s18, v2;
	_ =	sdelay $0x3  }
0xc6: {  	[spmem:s2] =	stream.indirect_vreg.scatter.add.f32 [tilespmem:s28], [sflag:$0x3], $0x8, v5, vm0, $0xb8;
	[tilespmem:$0x1E520] =	vst v63  }
0xc7: {  	v5 =	vld.idx.msk [tilespmem:v6+s25+$0x0], $0xffff;
	_ =	sdelay $0x2  }
0xc8: {  	s18 =	sadd.s32 $0x60, s13  }
0xc9: {  	v6 =	vor.u32 s18, v2;
	_ =	sdelay $0x3  }
0xca: {  	[spmem:s2] =	stream.indirect_vreg.scatter.add.f32 [tilespmem:s29], [sflag:$0x3], $0x8, v5, vm0, $0xb8;
	[tilespmem:$0x1E520] =	vst v63  }
0xcb: {  	v5 =	vld.idx.msk [tilespmem:v6+s25+$0x0], $0xffff;
	_ =	sdelay $0x2  }
0xcc: {  	s18 =	sadd.s32 $0x70, s13  }
0xcd: {  	v6 =	vor.u32 s18, v2;
	_ =	sdelay $0x3  }
0xce: {  	[spmem:s2] =	stream.indirect_vreg.scatter.add.f32 [tilespmem:s1], [sflag:$0x3], $0x8, v5, vm0, $0xb8;
	[tilespmem:$0x1E520] =	vst v63  }
0xcf: {  	v5 =	vld.idx.msk [tilespmem:v6+s25+$0x0], $0xffff;
	_ =	sdelay $0x7  }
0xd0: {  	[spmem:s2] =	stream.indirect_vreg.scatter.add.f32 [tilespmem:s6], [sflag:$0x3], $0x8, v5, vm0, $0xb8;
	[tilespmem:$0x1E520] =	vst v63  }
0xd1: {  	_ =	swait.ge [sflag:s10], $0x80  }
0xd2: {  	[sflag:s10] =	ssyncset.done $0x0  }
0xd3: {  	[sflag:s10] =	ssyncadd.s32 $0xFFFFFF80  }
0xd4: {  	_ =	swait.ge [sflag:s10], $0x80  }
0xd5: {  	[sflag:s10] =	ssyncset.done $0x0  }
0xd6: {  	[sflag:s10] =	ssyncadd.s32 $0xFFFFFF80  }
0xd7: {  	_ =	swait.ge [sflag:s10], $0x80  }
0xd8: {  	[sflag:s10] =	ssyncset.done $0x0  }
0xd9: {  	[sflag:s10] =	ssyncadd.s32 $0xFFFFFF80  }
0xda: {  	_ =	swait.ge [sflag:s10], $0x80  }
0xdb: {  	[sflag:s10] =	ssyncset.done $0x0  }
0xdc: {  	[sflag:s10] =	ssyncadd.s32 $0xFFFFFF80  }
0xdd: {  	_ =	swait.ge [sflag:s10], $0x80  }
0xde: {  	[sflag:s10] =	ssyncset.done $0x0  }
0xdf: {  	[sflag:s10] =	ssyncadd.s32 $0xFFFFFF80  }
0xe0: {  	_ =	swait.ge [sflag:s10], $0x80  }
0xe1: {  	[sflag:s10] =	ssyncset.done $0x0  }
0xe2: {  	s18 =	sxor.u32 s15, s7;
	[sflag:s10] =	ssyncadd.s32 $0xFFFFFF80  }
0xe3: {  	p0 =	sne.s32 s18, $0x1000000;
	_ =	swait.ge [sflag:s10], $0x80  }
.Ltmp4:
0xe4: {  	[sflag:s10] =	ssyncset.done $0x0;
	(pc) =	sbr.rel @p0 .LBB2_10-.Ltmp4, $4  }
0xe5: {  	[sflag:s10] =	ssyncadd.s32 $0xFFFFFF80  }
0xe6: {  	_ =	swait.ge [sflag:s10], $0x80  }
0xe7: {  	s14 =	sadd.s32 $0x80, s14;
	[sflag:s10] =	ssyncset.done $0x0  }
0xe8: {  	s13 =	sadd.s32 $0x80, s13;
	s15 =	sadd.s32 $0x1, s15;
	[sflag:s10] =	ssyncadd.s32 $0xFFFFFF80  }
.LBB2_11:
0xe9: {  	[bflag:$0x0] =	sbarrier.arrive $0xFFFF;
	s5 =	sshll.u32 s5, $0x11;
	s19 =	simm.s32 $0x0  }
0xea: {  	s21 =	simm.s32 $0x0;
	s18 =	sor.u32 s8, s5;
	s1 =	rddreg [dreg:$0x1]  }
.LBB2_12:
0xeb: {  	s7 =	sshll.u32 s21, $0xA;
	s5 =	sand.u32 $0x180, s19  }
0xec: {  	s13 =	sadd.s32 s8, s7;
	v5 =	vmov s5  }
0xed: {  	s13 =	sshll.u32 s13, $0x3;
	v5 =	vshll.u32 v5, $0x3  }
0xee: {  	s14 =	sand.u32 $0x7, s19;
	s13 =	sand.u32 $0x3FFFFFF8, s13;
	v5 =	vor.u32 v4, v5  }
0xef: {  	s13 =	sadd.s32 s13, s2;
	v5 =	vor.u32 s14, v5  }
0xf0: {  	[tilespmem:s30], [sflag:$0x5] =	stream.linear.gather [spmem:s13], $0x2000, $0x38;
	[tilespmem:$0x1E520] =	vst v63  }
0xf1: {  	s22 =	sor.u32 $0x10, s5;
	_ =	swait.ge [sflag:s20], $0x2000  }
0xf2: {  	v6 =	vmov s22;
	[sflag:s20] =	ssyncset.done $0x0  }
0xf3: {  	v6 =	vshll.u32 v6, $0x3;
	[sflag:s20] =	ssyncadd.s32 $0xFFFFE000  }
0xf4: {  	v6 =	vor.u32 v4, v6;
	v5 =	vld.idx.msk [tilespmem:v5+s30+$0x0], $0xffff  }
0xf5: {  	v6 =	vor.u32 s14, v6;
	_ =	sdelay $0x1  }
0xf6: {  	s26 =	sor.u32 $0x20, s5  }
0xf7: {  	s28 =	simm.s32 $0xC4E0;
	v7 =	vmov s26  }
0xf8: {  	[tilespmem:s28+$0xFFFFFFC0] =	vst v5;
	v5 =	vshll.u32 v7, $0x3  }
0xf9: {  	v6 =	vld.idx.msk [tilespmem:v6+s30+$0x0], $0xffff;
	v5 =	vor.u32 v4, v5  }
0xfa: {  	v5 =	vor.u32 s14, v5;
	_ =	sdelay $0x1  }
0xfb: {  	s15 =	sor.u32 $0x30, s5  }
0xfc: {  	v7 =	vmov s15  }
0xfd: {  	[tilespmem:s28+$0xFFFFFFD0] =	vst v6;
	v6 =	vshll.u32 v7, $0x3  }
0xfe: {  	v5 =	vld.idx.msk [tilespmem:v5+s30+$0x0], $0xffff;
	v6 =	vor.u32 v4, v6  }
0xff: {  	v6 =	vor.u32 s14, v6;
	_ =	sdelay $0x1  }
0x100: {  	s16 =	sor.u32 $0x40, s5  }
0x101: {  	v7 =	vmov s16  }
0x102: {  	[tilespmem:s28+$0xFFFFFFE0] =	vst v5;
	v5 =	vshll.u32 v7, $0x3  }
0x103: {  	v6 =	vld.idx.msk [tilespmem:v6+s30+$0x0], $0xffff;
	v5 =	vor.u32 v4, v5  }
0x104: {  	v5 =	vor.u32 s14, v5;
	_ =	sdelay $0x1  }
0x105: {  	s22 =	sor.u32 $0x50, s5  }
0x106: {  	v7 =	vmov s22  }
0x107: {  	[tilespmem:s28+$0xFFFFFFF0] =	vst v6;
	v6 =	vshll.u32 v7, $0x3  }
0x108: {  	v5 =	vld.idx.msk [tilespmem:v5+s30+$0x0], $0xffff;
	v6 =	vor.u32 v4, v6  }
0x109: {  	v6 =	vor.u32 s14, v6;
	_ =	sdelay $0x1  }
0x10a: {  	s5 =	sor.u32 $0x60, s5  }
0x10b: {  	v7 =	vmov s5  }
0x10c: {  	[tilespmem:s28+$0x0] =	vst v5;
	v5 =	vshll.u32 v7, $0x3  }
0x10d: {  	v6 =	vld.idx.msk [tilespmem:v6+s30+$0x0], $0xffff;
	v5 =	vor.u32 v4, v5  }
0x10e: {  	v5 =	vor.u32 s14, v5;
	_ =	sdelay $0x1  }
0x10f: {  	s26 =	sor.u32 $0x70, s19  }
0x110: {  	v7 =	vmov s26  }
0x111: {  	v7 =	vshll.u32 v7, $0x3;
	[tilespmem:s28+$0x10] =	vst v6  }
0x112: {  	v6 =	vor.u32 v4, v7;
	v5 =	vld.idx.msk [tilespmem:v5+s30+$0x0], $0xffff  }
0x113: {  	v6 =	vor.u32 s14, v6;
	_ =	sdelay $0x1  }
0x114: {  	s5 =	simm.s32 $0x10  }
0x115: {  	s29 =	simm.s32 $0x1;
	s13 =	sand.u32 $0x180, s5;
	s14 =	simm.s32 $0x2  }
.LBB2_13:
0x116: {  	p0 =	sne.s32 s14, $0x1F;
	v7 =	vmov s13;
	[tilespmem:s28+$0x20] =	vst v5  }
0x117: {  	v5 =	vshll.u32 v7, $0x3;
	v6 =	vld.idx.msk [tilespmem:v6+s30+$0x0], $0xffff  }
0x118: {  	s15 =	sand.u32 $0x7, s29;
	s29 =	smov.u32 s14;
	v5 =	vor.u32 v4, v5  }
0x119: {  	v5 =	vor.u32 s15, v5;
	_ =	sdelay $0x2  }
0x11a: {  	s16 =	sor.u32 $0x10, s13  }
0x11b: {  	v7 =	vmov s16;
	[tilespmem:s28+$0x30] =	vst v6  }
0x11c: {  	v6 =	vshll.u32 v7, $0x3;
	v5 =	vld.idx.msk [tilespmem:v5+s30+$0x0], $0xffff  }
0x11d: {  	v6 =	vor.u32 v4, v6  }
0x11e: {  	v6 =	vor.u32 s15, v6;
	_ =	sdelay $0x2  }
0x11f: {  	s16 =	sor.u32 $0x20, s13;
	s28 =	sadd.s32 $0x80, s28  }
0x120: {  	[tilespmem:s28+$0xFFFFFFC0] =	vst v5;
	v5 =	vmov s16  }
0x121: {  	v6 =	vld.idx.msk [tilespmem:v6+s30+$0x0], $0xffff;
	v5 =	vshll.u32 v5, $0x3  }
0x122: {  	v5 =	vor.u32 v4, v5  }
0x123: {  	v5 =	vor.u32 s15, v5;
	_ =	sdelay $0x2  }
0x124: {  	s16 =	sor.u32 $0x30, s13  }
0x125: {  	[tilespmem:s28+$0xFFFFFFD0] =	vst v6;
	v6 =	vmov s16  }
0x126: {  	v5 =	vld.idx.msk [tilespmem:v5+s30+$0x0], $0xffff;
	v6 =	vshll.u32 v6, $0x3  }
0x127: {  	v6 =	vor.u32 v4, v6  }
0x128: {  	v6 =	vor.u32 s15, v6;
	_ =	sdelay $0x2  }
0x129: {  	s16 =	sor.u32 $0x40, s13  }
0x12a: {  	[tilespmem:s28+$0xFFFFFFE0] =	vst v5;
	v5 =	vmov s16  }
0x12b: {  	v6 =	vld.idx.msk [tilespmem:v6+s30+$0x0], $0xffff;
	v5 =	vshll.u32 v5, $0x3  }
0x12c: {  	v5 =	vor.u32 v4, v5  }
0x12d: {  	v5 =	vor.u32 s15, v5;
	_ =	sdelay $0x2  }
0x12e: {  	s16 =	sor.u32 $0x50, s13  }
0x12f: {  	[tilespmem:s28+$0xFFFFFFF0] =	vst v6;
	v6 =	vmov s16  }
0x130: {  	v5 =	vld.idx.msk [tilespmem:v5+s30+$0x0], $0xffff;
	v6 =	vshll.u32 v6, $0x3  }
0x131: {  	v6 =	vor.u32 v4, v6  }
0x132: {  	v6 =	vor.u32 s15, v6;
	_ =	sdelay $0x2  }
0x133: {  	s13 =	sor.u32 $0x60, s13  }
0x134: {  	[tilespmem:s28+$0x0] =	vst v5;
	v5 =	vmov s13  }
0x135: {  	v6 =	vld.idx.msk [tilespmem:v6+s30+$0x0], $0xffff;
	v5 =	vshll.u32 v5, $0x3  }
0x136: {  	v5 =	vor.u32 v4, v5  }
0x137: {  	v5 =	vor.u32 s15, v5;
	_ =	sdelay $0x2  }
0x138: {  	s13 =	sor.u32 $0x70, s5  }
0x139: {  	[tilespmem:s28+$0x10] =	vst v6;
	v6 =	vmov s13  }
0x13a: {  	v5 =	vld.idx.msk [tilespmem:v5+s30+$0x0], $0xffff;
	v6 =	vshll.u32 v6, $0x3  }
.Ltmp5:
0x13b: {  	v6 =	vor.u32 v4, v6;
	(pc) =	sbr.rel @p0 .LBB2_13-.Ltmp5, $3  }
0x13c: {  	v6 =	vor.u32 s15, v6;
	_ =	sdelay $0x1  }
0x13d: {  	s5 =	sadd.s32 $0x10, s5  }
0x13e: {  	s14 =	sadd.s32 $0x1, s14;
	s13 =	sand.u32 $0x180, s5  }
0x13f: {  	_ =	sdelay $0x1  }
0x140: {  	v7 =	vmov s13  }
0x141: {  	[tilespmem:s28+$0x20] =	vst v5;
	v5 =	vshll.u32 v7, $0x3  }
0x142: {  	s15 =	sand.u32 $0x7, s29;
	v6 =	vld.idx.msk [tilespmem:v6+s30+$0x0], $0xffff;
	v5 =	vor.u32 v4, v5  }
0x143: {  	v5 =	vor.u32 s15, v5;
	_ =	sdelay $0x1  }
0x144: {  	s14 =	sor.u32 $0x10, s13  }
0x145: {  	v7 =	vmov s14  }
0x146: {  	[tilespmem:s28+$0x30] =	vst v6;
	v6 =	vshll.u32 v7, $0x3  }
0x147: {  	v6 =	vor.u32 v4, v6;
	v5 =	vld.idx.msk [tilespmem:v5+s30+$0x0], $0xffff  }
0x148: {  	v6 =	vor.u32 s15, v6;
	_ =	sdelay $0x1  }
0x149: {  	s16 =	sor.u32 $0x20, s13  }
0x14a: {  	s14 =	sadd.s32 $0x80, s28;
	v7 =	vmov s16  }
0x14b: {  	[tilespmem:s14+$0xFFFFFFC0] =	vst v5;
	v5 =	vshll.u32 v7, $0x3  }
0x14c: {  	v6 =	vld.idx.msk [tilespmem:v6+s30+$0x0], $0xffff;
	v5 =	vor.u32 v4, v5  }
0x14d: {  	v5 =	vor.u32 s15, v5;
	_ =	sdelay $0x1  }
0x14e: {  	s26 =	sor.u32 $0x30, s13  }
0x14f: {  	v7 =	vmov s26  }
0x150: {  	[tilespmem:s14+$0xFFFFFFD0] =	vst v6;
	v6 =	vshll.u32 v7, $0x3  }
0x151: {  	v5 =	vld.idx.msk [tilespmem:v5+s30+$0x0], $0xffff;
	v6 =	vor.u32 v4, v6  }
0x152: {  	v6 =	vor.u32 s15, v6;
	_ =	sdelay $0x1  }
0x153: {  	s22 =	sor.u32 $0x40, s13  }
0x154: {  	v7 =	vmov s22  }
0x155: {  	[tilespmem:s14+$0xFFFFFFE0] =	vst v5;
	v5 =	vshll.u32 v7, $0x3  }
0x156: {  	v6 =	vld.idx.msk [tilespmem:v6+s30+$0x0], $0xffff;
	v5 =	vor.u32 v4, v5  }
0x157: {  	v5 =	vor.u32 s15, v5;
	_ =	sdelay $0x1  }
0x158: {  	s26 =	sor.u32 $0x50, s13  }
0x159: {  	v7 =	vmov s26  }
0x15a: {  	[tilespmem:s14+$0xFFFFFFF0] =	vst v6;
	v6 =	vshll.u32 v7, $0x3  }
0x15b: {  	v5 =	vld.idx.msk [tilespmem:v5+s30+$0x0], $0xffff;
	v6 =	vor.u32 v4, v6  }
0x15c: {  	v6 =	vor.u32 s15, v6;
	_ =	sdelay $0x1  }
0x15d: {  	s16 =	sor.u32 $0x60, s13  }
0x15e: {  	v7 =	vmov s16  }
0x15f: {  	[tilespmem:s14+$0x0] =	vst v5;
	v5 =	vshll.u32 v7, $0x3  }
0x160: {  	v6 =	vld.idx.msk [tilespmem:v6+s30+$0x0], $0xffff;
	v5 =	vor.u32 v4, v5  }
0x161: {  	v5 =	vor.u32 s15, v5;
	_ =	sdelay $0x1  }
0x162: {  	s5 =	sor.u32 $0x70, s5  }
0x163: {  	v7 =	vmov s5  }
0x164: {  	[tilespmem:s14+$0x10] =	vst v6;
	v6 =	vshll.u32 v7, $0x3  }
0x165: {  	v5 =	vld.idx.msk [tilespmem:v5+s30+$0x0], $0xffff;
	v6 =	vor.u32 v4, v6  }
0x166: {  	v6 =	vor.u32 s15, v6  }
0x167: {  	s22 =	sadd.s32 s18, s7;
	s16 =	sand.u32 $0x1, s21  }
0x168: {  	p0 =	seq.s32 s22, $0x0;
	p1 =	seq.s32 s16, $0x1;
	s5 =	simm.s32 $0x200  }
0x169: {  	p0 =	por !p0, !p1;
	s15 =	sand.u32 $0x380, s5  }
0x16a: {  	s16 =	simm.s32 $0xFFFFFFFF;
	p0 =	por !p0, !p0;
	[tilespmem:s14+$0x20] =	vst v5;
	v5 =	vmov s15  }
0x16b: {  	s28 =	simm.s32 $0x0;
	s16 =	simm.s32 @!p0 $0x0;
	v6 =	vld.idx.msk [tilespmem:v6+s30+$0x0], $0xffff;
	v5 =	vshll.u32 v5, $0x3  }
0x16c: {  	s26 =	sand.u32 $0x7, s28;
	s16 =	sshll.u32 s16, $0xB;
	v5 =	vor.u32 v4, v5  }
0x16d: {  	s13 =	sadd.s32 s22, s16;
	v5 =	vor.u32 s26, v5  }
0x16e: {  	s22 =	sand.u32 $0x400, s7;
	s13 =	sand.u32 $0x1FFFF800, s13  }
0x16f: {  	s7 =	sor.u32 s22, s13;
	s16 =	sor.u32 $0x10, s15  }
0x170: {  	s22 =	sadd.s32 s1, s7;
	[tilespmem:s14+$0x30] =	vst v6;
	v6 =	vmov s16  }
0x171: {  	[hbm4b:s22+s28] =	stream.linear.scatter [tilespmem:s31], [sflag:$0x4], $0x1000, $0x38;
	v6 =	vshll.u32 v6, $0x3;
	[tilespmem:$0x1E520] =	vst v63  }
0x172: {  	v5 =	vld.idx.msk [tilespmem:v5+s30+$0x0], $0xffff;
	v6 =	vor.u32 v4, v6  }
0x173: {  	v6 =	vor.u32 s26, v6;
	_ =	sdelay $0x1  }
0x174: {  	s16 =	sor.u32 $0x20, s15  }
0x175: {  	s29 =	simm.s32 $0xD510;
	v7 =	vmov s16  }
0x176: {  	[tilespmem:s29+$0xFFFFFF90] =	vst v5;
	v5 =	vshll.u32 v7, $0x3  }
0x177: {  	v6 =	vld.idx.msk [tilespmem:v6+s30+$0x0], $0xffff;
	v5 =	vor.u32 v4, v5  }
0x178: {  	v5 =	vor.u32 s26, v5;
	_ =	sdelay $0x1  }
0x179: {  	s22 =	sor.u32 $0x30, s15  }
0x17a: {  	v7 =	vmov s22  }
0x17b: {  	[tilespmem:s29+$0xFFFFFFA0] =	vst v6;
	v6 =	vshll.u32 v7, $0x3  }
0x17c: {  	v5 =	vld.idx.msk [tilespmem:v5+s30+$0x0], $0xffff;
	v6 =	vor.u32 v4, v6  }
0x17d: {  	v6 =	vor.u32 s26, v6;
	_ =	sdelay $0x1  }
0x17e: {  	s14 =	sor.u32 $0x40, s15  }
0x17f: {  	v7 =	vmov s14  }
0x180: {  	[tilespmem:s29+$0xFFFFFFB0] =	vst v5;
	v5 =	vshll.u32 v7, $0x3  }
0x181: {  	v6 =	vld.idx.msk [tilespmem:v6+s30+$0x0], $0xffff;
	v5 =	vor.u32 v4, v5  }
0x182: {  	v5 =	vor.u32 s26, v5;
	_ =	sdelay $0x1  }
0x183: {  	s16 =	sor.u32 $0x50, s15  }
0x184: {  	v7 =	vmov s16  }
0x185: {  	[tilespmem:s29+$0xFFFFFFC0] =	vst v6;
	v6 =	vshll.u32 v7, $0x3  }
0x186: {  	v5 =	vld.idx.msk [tilespmem:v5+s30+$0x0], $0xffff;
	v6 =	vor.u32 v4, v6  }
0x187: {  	v6 =	vor.u32 s26, v6;
	_ =	sdelay $0x1  }
0x188: {  	s22 =	sor.u32 $0x60, s15  }
0x189: {  	v7 =	vmov s22  }
0x18a: {  	[tilespmem:s29+$0xFFFFFFD0] =	vst v5;
	v5 =	vshll.u32 v7, $0x3  }
0x18b: {  	v6 =	vld.idx.msk [tilespmem:v6+s30+$0x0], $0xffff;
	v5 =	vor.u32 v4, v5  }
0x18c: {  	v5 =	vor.u32 s26, v5;
	_ =	sdelay $0x1  }
0x18d: {  	s5 =	sor.u32 $0x70, s5  }
0x18e: {  	v7 =	vmov s5  }
0x18f: {  	v7 =	vshll.u32 v7, $0x3;
	[tilespmem:s29+$0xFFFFFFE0] =	vst v6  }
0x190: {  	v6 =	vor.u32 v4, v7;
	v5 =	vld.idx.msk [tilespmem:v5+s30+$0x0], $0xffff  }
0x191: {  	v6 =	vor.u32 s26, v6;
	_ =	sdelay $0x1  }
0x192: {  	s5 =	simm.s32 $0x210  }
0x193: {  	s14 =	simm.s32 $0x220;
	s13 =	sand.u32 $0x380, s5  }
.LBB2_15:
0x194: {  	p0 =	sne.s32 s14, $0x3F0;
	v7 =	vmov s13;
	[tilespmem:s29+$0xFFFFFFF0] =	vst v5  }
0x195: {  	s28 =	sadd.s32 $0x1, s28;
	v5 =	vshll.u32 v7, $0x3;
	v6 =	vld.idx.msk [tilespmem:v6+s30+$0x0], $0xffff  }
0x196: {  	s15 =	sand.u32 $0x7, s28;
	v5 =	vor.u32 v4, v5  }
0x197: {  	v5 =	vor.u32 s15, v5;
	_ =	sdelay $0x2  }
0x198: {  	s16 =	sor.u32 $0x10, s13  }
0x199: {  	v7 =	vmov s16;
	[tilespmem:s29+$0x0] =	vst v6  }
0x19a: {  	v6 =	vshll.u32 v7, $0x3;
	v5 =	vld.idx.msk [tilespmem:v5+s30+$0x0], $0xffff  }
0x19b: {  	v6 =	vor.u32 v4, v6  }
0x19c: {  	v6 =	vor.u32 s15, v6;
	_ =	sdelay $0x2  }
0x19d: {  	s16 =	sor.u32 $0x20, s13;
	s29 =	sadd.s32 $0x80, s29  }
0x19e: {  	[tilespmem:s29+$0xFFFFFF90] =	vst v5;
	v5 =	vmov s16  }
0x19f: {  	v6 =	vld.idx.msk [tilespmem:v6+s30+$0x0], $0xffff;
	v5 =	vshll.u32 v5, $0x3  }
0x1a0: {  	v5 =	vor.u32 v4, v5  }
0x1a1: {  	v5 =	vor.u32 s15, v5;
	_ =	sdelay $0x2  }
0x1a2: {  	s16 =	sor.u32 $0x30, s13  }
0x1a3: {  	[tilespmem:s29+$0xFFFFFFA0] =	vst v6;
	v6 =	vmov s16  }
0x1a4: {  	v5 =	vld.idx.msk [tilespmem:v5+s30+$0x0], $0xffff;
	v6 =	vshll.u32 v6, $0x3  }
0x1a5: {  	v6 =	vor.u32 v4, v6  }
0x1a6: {  	v6 =	vor.u32 s15, v6;
	_ =	sdelay $0x2  }
0x1a7: {  	s16 =	sor.u32 $0x40, s13  }
0x1a8: {  	[tilespmem:s29+$0xFFFFFFB0] =	vst v5;
	v5 =	vmov s16  }
0x1a9: {  	v6 =	vld.idx.msk [tilespmem:v6+s30+$0x0], $0xffff;
	v5 =	vshll.u32 v5, $0x3  }
0x1aa: {  	v5 =	vor.u32 v4, v5  }
0x1ab: {  	v5 =	vor.u32 s15, v5;
	_ =	sdelay $0x2  }
0x1ac: {  	s16 =	sor.u32 $0x50, s13  }
0x1ad: {  	[tilespmem:s29+$0xFFFFFFC0] =	vst v6;
	v6 =	vmov s16  }
0x1ae: {  	v5 =	vld.idx.msk [tilespmem:v5+s30+$0x0], $0xffff;
	v6 =	vshll.u32 v6, $0x3  }
0x1af: {  	v6 =	vor.u32 v4, v6  }
0x1b0: {  	v6 =	vor.u32 s15, v6;
	_ =	sdelay $0x2  }
0x1b1: {  	s13 =	sor.u32 $0x60, s13  }
0x1b2: {  	[tilespmem:s29+$0xFFFFFFD0] =	vst v5;
	v5 =	vmov s13  }
0x1b3: {  	v6 =	vld.idx.msk [tilespmem:v6+s30+$0x0], $0xffff;
	v5 =	vshll.u32 v5, $0x3  }
0x1b4: {  	v5 =	vor.u32 v4, v5  }
0x1b5: {  	v5 =	vor.u32 s15, v5;
	_ =	sdelay $0x2  }
0x1b6: {  	s13 =	sor.u32 $0x70, s5;
	s5 =	smov.u32 s14  }
0x1b7: {  	[tilespmem:s29+$0xFFFFFFE0] =	vst v6;
	v6 =	vmov s13  }
0x1b8: {  	v5 =	vld.idx.msk [tilespmem:v5+s30+$0x0], $0xffff;
	v6 =	vshll.u32 v6, $0x3  }
.Ltmp6:
0x1b9: {  	v6 =	vor.u32 v4, v6;
	(pc) =	sbr.rel @p0 .LBB2_15-.Ltmp6, $2  }
0x1ba: {  	v6 =	vor.u32 s15, v6;
	_ =	sdelay $0x2  }
0x1bb: {  	s14 =	sadd.s32 $0x10, s14;
	s13 =	sand.u32 $0x380, s5  }
0x1bc: {  	_ =	sdelay $0x1  }
0x1bd: {  	v7 =	vmov s13  }
0x1be: {  	[tilespmem:s29+$0xFFFFFFF0] =	vst v5;
	s14 =	sadd.s32 $0x1, s28;
	v5 =	vshll.u32 v7, $0x3  }
0x1bf: {  	v6 =	vld.idx.msk [tilespmem:v6+s30+$0x0], $0xffff;
	s14 =	sand.u32 $0x7, s14;
	v5 =	vor.u32 v4, v5  }
0x1c0: {  	v5 =	vor.u32 s14, v5;
	_ =	sdelay $0x1  }
0x1c1: {  	s15 =	sor.u32 $0x10, s13  }
0x1c2: {  	v7 =	vmov s15  }
0x1c3: {  	[tilespmem:s29+$0x0] =	vst v6;
	v6 =	vshll.u32 v7, $0x3  }
0x1c4: {  	v6 =	vor.u32 v4, v6;
	v5 =	vld.idx.msk [tilespmem:v5+s30+$0x0], $0xffff  }
0x1c5: {  	v6 =	vor.u32 s14, v6;
	_ =	sdelay $0x1  }
0x1c6: {  	s28 =	sor.u32 $0x20, s13  }
0x1c7: {  	s16 =	sadd.s32 $0x80, s29;
	v7 =	vmov s28  }
0x1c8: {  	[tilespmem:s16+$0xFFFFFF90] =	vst v5;
	v5 =	vshll.u32 v7, $0x3  }
0x1c9: {  	v6 =	vld.idx.msk [tilespmem:v6+s30+$0x0], $0xffff;
	v5 =	vor.u32 v4, v5  }
0x1ca: {  	v5 =	vor.u32 s14, v5;
	_ =	sdelay $0x1  }
0x1cb: {  	s29 =	sor.u32 $0x30, s13  }
0x1cc: {  	v7 =	vmov s29  }
0x1cd: {  	[tilespmem:s16+$0xFFFFFFA0] =	vst v6;
	v6 =	vshll.u32 v7, $0x3  }
0x1ce: {  	v5 =	vld.idx.msk [tilespmem:v5+s30+$0x0], $0xffff;
	v6 =	vor.u32 v4, v6  }
0x1cf: {  	v6 =	vor.u32 s14, v6;
	_ =	sdelay $0x1  }
0x1d0: {  	s22 =	sor.u32 $0x40, s13  }
0x1d1: {  	v7 =	vmov s22  }
0x1d2: {  	[tilespmem:s16+$0xFFFFFFB0] =	vst v5;
	v5 =	vshll.u32 v7, $0x3  }
0x1d3: {  	v6 =	vld.idx.msk [tilespmem:v6+s30+$0x0], $0xffff;
	v5 =	vor.u32 v4, v5  }
0x1d4: {  	v5 =	vor.u32 s14, v5;
	_ =	sdelay $0x1  }
0x1d5: {  	s26 =	sor.u32 $0x50, s13  }
0x1d6: {  	v7 =	vmov s26  }
0x1d7: {  	[tilespmem:s16+$0xFFFFFFC0] =	vst v6;
	v6 =	vshll.u32 v7, $0x3  }
0x1d8: {  	v5 =	vld.idx.msk [tilespmem:v5+s30+$0x0], $0xffff;
	v6 =	vor.u32 v4, v6  }
0x1d9: {  	v6 =	vor.u32 s14, v6;
	_ =	sdelay $0x1  }
0x1da: {  	s28 =	sor.u32 $0x60, s13  }
0x1db: {  	v7 =	vmov s28  }
0x1dc: {  	[tilespmem:s16+$0xFFFFFFD0] =	vst v5;
	v5 =	vshll.u32 v7, $0x3  }
0x1dd: {  	v6 =	vld.idx.msk [tilespmem:v6+s30+$0x0], $0xffff;
	v5 =	vor.u32 v4, v5  }
0x1de: {  	v5 =	vor.u32 s14, v5;
	_ =	sdelay $0x1  }
0x1df: {  	s5 =	sor.u32 $0x70, s5  }
0x1e0: {  	v7 =	vmov s5  }
0x1e1: {  	[tilespmem:s16+$0xFFFFFFE0] =	vst v6;
	v6 =	vshll.u32 v7, $0x3  }
0x1e2: {  	v5 =	vld.idx.msk [tilespmem:v5+s30+$0x0], $0xffff;
	v6 =	vor.u32 v4, v6  }
0x1e3: {  	v6 =	vor.u32 s14, v6;
	_ =	sdelay $0x3  }
0x1e4: {  	[tilespmem:s16+$0xFFFFFFF0] =	vst v5  }
0x1e5: {  	v5 =	vld.idx.msk [tilespmem:v6+s30+$0x0], $0xffff;
	_ =	sdelay $0x4  }
0x1e6: {  	s21 =	sadd.s32 $0x1, s21;
	s29 =	sadd.s32 s7, s11;
	[tilespmem:s16+$0x0] =	vst v5  }
0x1e7: {  	[hbm4b:s29+s4] =	stream.linear.scatter [tilespmem:s0], [sflag:$0x4], $0x1000, $0x38;
	[tilespmem:$0x1E520] =	vst v63  }
0x1e8: {  	p0 =	sne.s32 s21, $0x8;
	_ =	swait.ge [sflag:s3], $0x1000  }
.Ltmp7:
0x1e9: {  	[sflag:s3] =	ssyncset.done $0x0;
	(pc) =	sbr.rel @p0 .LBB2_12-.Ltmp7, $4  }
0x1ea: {  	[sflag:s3] =	ssyncadd.s32 $0xFFFFF000  }
0x1eb: {  	_ =	swait.ge [sflag:s3], $0x1000  }
0x1ec: {  	[sflag:s3] =	ssyncset.done $0x0  }
0x1ed: {  	[sflag:s3] =	ssyncadd.s32 $0xFFFFF000  }
0x1ee: {  	s17 =	sadd.s32 $0x1, s17  }
0x1ef: {  	p0 =	sne.s32 s17, $0x10  }
.Ltmp8:
0x1f0: {  	_ = 	snop;
	(pc) =	sbr.rel @p0 .LBB2_8-.Ltmp8, $3  }
0x1f1: {  	_ =	sdelay $0x1  }
0x1f2: {  	s16 =	simm.s32 $0x80;
	s19 =	simm.s32 $0x8120;
	s21 =	simm.s32 $0x81A0  }
0x1f3: {  	s26 =	simm.s32 $0x8220;
	s28 =	simm.s32 $0x82A0;
	s29 =	simm.s32 $0x8320  }
0x1f4: {  	s7 =	rddreg [dreg:$0x11]  }
0x1f5: {  	s5 =	rddreg [dreg:$0x8];
	s7 =	sadd.s32 $0x1, s7  }
0x1f6: {  	p0 =	sne.s32 s7, s5  }
.Ltmp9:
0x1f7: {  	_ = 	snop;
	(pc) =	sbr.rel @p0 .LBB2_1-.Ltmp9, $2  }
0x1f8: {  	_ =	sdelay $0x2  }
0x1f9: {  	s1 =	simm.s32 $0x8020  }
0x1fa: {  	_ =	sfence.sel $0x180000  }
0x1fb: {  	[bflag:$0x0] =	sbarrier.arrive $0xFFFF  }
0x1fc: {  	_ =	strace $0x90000047  }
0x1fd: {  	s0 =	stileid.u32;
	[bflag:$0x2] =	sbarrier.arrive $0xFFFF  }
0x1fe: {  	p0 =	sne.s32 s0, $0x0;
	s0 =	rddreg [dreg:$0x3]  }
0x1ff: {  	s0 =	sadd.s32 @!p0 $0x100000, s0  }
0x200: {  	[sflag:s0] =	ssyncadd.tile.s32 @!p0 $0x1;
	_ =	shalt  }
.Lfunc_end2:
_tile_overlayer_lowered:
.L_overlay_start_2:
0x201: {  	(tag) =	ssettag $0x2  }
0x202: {  	s0 =	rddreg [dreg:$0x0];
	s2 =	stileid.u32  }
0x203: {  	s1 =	rddreg [dreg:$0x1];
	p0 =	sne.s32 s2, $0x0  }
0x204: {  	s3 =	rddreg [dreg:$0x2];
	[bflag:$0x3] =	sbarrier.arrive $0xFFFF;
	s2 =	simm.s32 @!p0 $0x1C05  }
0x205: {  	[timem:s3], [sflag:s2] =	dma.local @!p0 [hbm:s0], s1  }
0x206: {  	s0 =	simm.s32 @!p0 $0x5  }
0x207: {  	_ =	swait.ge @!p0 [sflag:s0], s1  }
0x208: {  	s1 =	ssub.s32 @!p0 $0x0, s1;
	[sflag:s0] =	ssyncset.done @!p0 $0x0  }
0x209: {  	[sflag:s0] =	ssyncadd.s32 @!p0 s1  }
0x20a: {  	[bflag:$0x3] =	sbarrier.arrive $0xFFFF  }
0x20b: {  	_ =	shalt  }

</sc_bundles>
